<compile_context>
chip_gen: v7x
topology: tpu7x:2x2x1
jax: 0.10.2.dev20260603
libtpu: 0.0.44.dev20260713+nightly
codegen_flags: <defaults>
</compile_context>

<pallas_src>
import dataclasses
import functools

import jax
import jax.numpy as jnp
from jax import lax
from jax.experimental import pallas as pl
from jax.experimental.pallas import tpu as pltpu
from jax.experimental.pallas import tpu_sc as plsc

NC = 2
NS = 16
NW = NC * NS
NQ = 4

_HCHUNK = 4000
_ECHUNK = 6400


def _sc_mesh():
    return plsc.VectorSubcoreMesh(core_axis_name="c", subcore_axis_name="s")


def _sc_params():
    cp = pltpu.CompilerParams()
    if "needs_layout_passes" in pltpu.CompilerParams.__dataclass_fields__:
        cp = dataclasses.replace(cp, needs_layout_passes=False)
    return cp


def _deg_hist(dst32, z1):
    np_ = z1.shape[1]
    e = dst32.shape[0]
    epw = e // NW
    nwin = epw // _HCHUNK

    @functools.partial(
        pl.kernel,
        mesh=_sc_mesh(),
        compiler_params=_sc_params(),
        out_type=jax.ShapeDtypeStruct((NW, 1, np_), jnp.float32),
        scratch_types=[
            pltpu.VMEM((1, np_), jnp.float32),
            pltpu.VMEM((_HCHUNK,), jnp.int32),
            pltpu.VMEM((_HCHUNK,), jnp.int32),
            pltpu.SemaphoreType.DMA,
            pltpu.SemaphoreType.DMA,
        ],
    )
    def k(dst_hbm, z1_hbm, deg_out, hist, da, db, sa, sb):
        c = lax.axis_index("c")
        s = lax.axis_index("s")
        wid = s * NC + c

        pltpu.sync_copy(z1_hbm, hist)
        zero16 = jnp.zeros((16,), jnp.int32)
        ones16 = jnp.full((16,), 1.0, jnp.float32)
        base = wid * epw

        def off(w):
            return base + jnp.minimum(w, nwin - 1) * _HCHUNK

        def process(buf):
            @plsc.parallel_loop(0, _HCHUNK, step=16, unroll=10)
            def _(i):
                idx = buf[pl.ds(i, 16)]
                plsc.addupdate_scatter(hist, [zero16, idx], ones16)

        pltpu.async_copy(dst_hbm.at[pl.ds(off(0), _HCHUNK)], da, sa)
        pltpu.async_copy(dst_hbm.at[pl.ds(off(1), _HCHUNK)], db, sb)

        @pl.loop(0, nwin, step=2)
        def _(w):
            pltpu.make_async_copy(dst_hbm.at[pl.ds(0, _HCHUNK)], da, sa).wait()
            process(da)
            pltpu.async_copy(dst_hbm.at[pl.ds(off(w + 2), _HCHUNK)], da, sa)

            @pl.when(w + 1 < nwin)
            def _():
                pltpu.make_async_copy(dst_hbm.at[pl.ds(0, _HCHUNK)], db,
                                      sb).wait()
                process(db)
                pltpu.async_copy(dst_hbm.at[pl.ds(off(w + 3), _HCHUNK)], db,
                                 sb)

        pltpu.make_async_copy(dst_hbm.at[pl.ds(0, _HCHUNK)], da, sa).wait()
        pltpu.make_async_copy(dst_hbm.at[pl.ds(0, _HCHUNK)], db, sb).wait()

        pltpu.sync_copy(hist, deg_out.at[wid])

    return k(dst32, z1)


def _edge_pass(src32, dst32, g_t3, z1):
    oc, _, np_ = g_t3.shape
    e = src32.shape[0]
    epq = e // NQ
    nwin = epq // _ECHUNK

    @functools.partial(
        pl.kernel,
        mesh=_sc_mesh(),
        compiler_params=_sc_params(),
        out_type=[
            jax.ShapeDtypeStruct((NQ, oc, 1, np_), jnp.float32),
            jax.ShapeDtypeStruct((oc, 1, e), jnp.float32),
        ],
        scratch_types=[
            pltpu.VMEM((1, np_), jnp.float32),
            pltpu.VMEM((_ECHUNK,), jnp.int32),
            pltpu.VMEM((_ECHUNK,), jnp.int32),
            pltpu.VMEM((_ECHUNK,), jnp.float32),
            pltpu.VMEM((_ECHUNK,), jnp.float32),
            pltpu.SemaphoreType.DMA,
            pltpu.SemaphoreType.DMA,
            pltpu.SemaphoreType.DMA,
            pltpu.SemaphoreType.DMA,
        ],
    )
    def k(src_hbm, dst_hbm, g_hbm, z1_hbm, acc_out, msg_hbm,
          buf, sa_v, sb_v, ma_v, mb_v, isa, isb, osa, osb):
        c = lax.axis_index("c")
        s = lax.axis_index("s")
        wid = s * NC + c
        ch = wid % oc
        q = wid // oc

        pltpu.sync_copy(g_hbm.at[ch], buf)
        zero16 = jnp.zeros((16,), jnp.int32)
        base = q * epq

        def off(w):
            return base + jnp.minimum(w, nwin - 1) * _ECHUNK

        def gath(src_v, msg_v):
            @plsc.parallel_loop(0, _ECHUNK, step=16, unroll=16)
            def _(i):
                sl = pl.ds(i, 16)
                msg_v[sl] = plsc.load_gather(buf, [zero16, src_v[sl]])

        pltpu.async_copy(src_hbm.at[pl.ds(off(0), _ECHUNK)], sa_v, isa)
        pltpu.async_copy(src_hbm.at[pl.ds(off(1), _ECHUNK)], sb_v, isb)

        @pl.loop(0, nwin, step=2)
        def _(w):
            pltpu.make_async_copy(src_hbm.at[pl.ds(0, _ECHUNK)], sa_v,
                                  isa).wait()

            @pl.when(w >= 2)
            def _():
                pltpu.make_async_copy(
                    ma_v, msg_hbm.at[ch, 0, pl.ds(0, _ECHUNK)], osa).wait()

            gath(sa_v, ma_v)
            pltpu.async_copy(ma_v, msg_hbm.at[ch, 0, pl.ds(off(w), _ECHUNK)],
                             osa)
            pltpu.async_copy(src_hbm.at[pl.ds(off(w + 2), _ECHUNK)], sa_v, isa)

            @pl.when(w + 1 < nwin)
            def _():
                pltpu.make_async_copy(src_hbm.at[pl.ds(0, _ECHUNK)], sb_v,
                                      isb).wait()

                @pl.when(w >= 2)
                def _():
                    pltpu.make_async_copy(
                        mb_v, msg_hbm.at[ch, 0, pl.ds(0, _ECHUNK)], osb).wait()

                gath(sb_v, mb_v)
                pltpu.async_copy(mb_v,
                                 msg_hbm.at[ch, 0, pl.ds(off(w + 1), _ECHUNK)],
                                 osb)
                pltpu.async_copy(src_hbm.at[pl.ds(off(w + 3), _ECHUNK)], sb_v,
                                 isb)

        pltpu.make_async_copy(src_hbm.at[pl.ds(0, _ECHUNK)], sa_v, isa).wait()
        pltpu.make_async_copy(src_hbm.at[pl.ds(0, _ECHUNK)], sb_v, isb).wait()
        pltpu.make_async_copy(ma_v, msg_hbm.at[ch, 0, pl.ds(0, _ECHUNK)],
                              osa).wait()
        pltpu.make_async_copy(mb_v, msg_hbm.at[ch, 0, pl.ds(0, _ECHUNK)],
                              osb).wait()

        pltpu.sync_copy(z1_hbm, buf)

        def scat(dst_v, msg_v):
            @plsc.parallel_loop(0, _ECHUNK, step=16, unroll=16)
            def _(i):
                sl = pl.ds(i, 16)
                plsc.addupdate_scatter(buf, [zero16, dst_v[sl]], msg_v[sl])

        pltpu.async_copy(dst_hbm.at[pl.ds(off(0), _ECHUNK)], sa_v, isa)
        pltpu.async_copy(msg_hbm.at[ch, 0, pl.ds(off(0), _ECHUNK)], ma_v, osa)
        pltpu.async_copy(dst_hbm.at[pl.ds(off(1), _ECHUNK)], sb_v, isb)
        pltpu.async_copy(msg_hbm.at[ch, 0, pl.ds(off(1), _ECHUNK)], mb_v, osb)

        @pl.loop(0, nwin, step=2)
        def _(w):
            pltpu.make_async_copy(dst_hbm.at[pl.ds(0, _ECHUNK)], sa_v,
                                  isa).wait()
            pltpu.make_async_copy(msg_hbm.at[ch, 0, pl.ds(0, _ECHUNK)], ma_v,
                                  osa).wait()
            scat(sa_v, ma_v)
            pltpu.async_copy(dst_hbm.at[pl.ds(off(w + 2), _ECHUNK)], sa_v, isa)
            pltpu.async_copy(msg_hbm.at[ch, 0, pl.ds(off(w + 2), _ECHUNK)],
                             ma_v, osa)

            @pl.when(w + 1 < nwin)
            def _():
                pltpu.make_async_copy(dst_hbm.at[pl.ds(0, _ECHUNK)], sb_v,
                                      isb).wait()
                pltpu.make_async_copy(msg_hbm.at[ch, 0, pl.ds(0, _ECHUNK)],
                                      mb_v, osb).wait()
                scat(sb_v, mb_v)
                pltpu.async_copy(dst_hbm.at[pl.ds(off(w + 3), _ECHUNK)], sb_v,
                                 isb)
                pltpu.async_copy(msg_hbm.at[ch, 0, pl.ds(off(w + 3), _ECHUNK)],
                                 mb_v, osb)

        pltpu.make_async_copy(dst_hbm.at[pl.ds(0, _ECHUNK)], sa_v, isa).wait()
        pltpu.make_async_copy(dst_hbm.at[pl.ds(0, _ECHUNK)], sb_v, isb).wait()
        pltpu.make_async_copy(msg_hbm.at[ch, 0, pl.ds(0, _ECHUNK)], ma_v,
                              osa).wait()
        pltpu.make_async_copy(msg_hbm.at[ch, 0, pl.ds(0, _ECHUNK)], mb_v,
                              osb).wait()

        pltpu.sync_copy(buf, acc_out.at[q, ch])

    return k(src32, dst32, g_t3, z1)[0]


def _tc_g(x_t, w_t, deg_parts, blk):
    ic, n = x_t.shape
    oc = w_t.shape[0]
    np_ = deg_parts.shape[2]

    def body(deg_ref, x_ref, w_ref, g_ref):
        deg = jnp.sum(deg_ref[...], axis=(0, 1)) + 1.0
        dinv = lax.rsqrt(deg)
        h = jnp.dot(w_ref[...], x_ref[...],
                    preferred_element_type=jnp.float32)
        g_ref[...] = (h * dinv[None, :]).reshape(oc, 1, blk)

    return pl.pallas_call(
        body,
        grid=(np_ // blk,),
        in_specs=[
            pl.BlockSpec((NW, 1, blk), lambda i: (0, 0, i)),
            pl.BlockSpec((ic, blk), lambda i: (0, i)),
            pl.BlockSpec((oc, ic), lambda i: (0, 0)),
        ],
        out_specs=pl.BlockSpec((oc, 1, blk), lambda i: (0, 0, i)),
        out_shape=jax.ShapeDtypeStruct((oc, 1, np_), jnp.float32),
    )(deg_parts, x_t, w_t)


def _tc_out(acc_parts, g_t3, deg_parts, b_c, n, blk):
    oc = g_t3.shape[0]
    np_ = g_t3.shape[2]

    def body(a_ref, g_ref, deg_ref, b_ref, o_ref):
        deg = jnp.sum(deg_ref[...], axis=(0, 1)) + 1.0
        dinv = lax.rsqrt(deg)
        ssum = jnp.sum(a_ref[...], axis=(0, 2)) + g_ref[:, 0, :]
        o_ref[...] = ssum * dinv[None, :] + b_ref[...]

    return pl.pallas_call(
        body,
        grid=((n + blk - 1) // blk,),
        in_specs=[
            pl.BlockSpec((NQ, oc, 1, blk), lambda i: (0, 0, 0, i)),
            pl.BlockSpec((oc, 1, blk), lambda i: (0, 0, i)),
            pl.BlockSpec((NW, 1, blk), lambda i: (0, 0, i)),
            pl.BlockSpec((oc, 1), lambda i: (0, 0)),
        ],
        out_specs=pl.BlockSpec((oc, blk), lambda i: (0, i)),
        out_shape=jax.ShapeDtypeStruct((oc, n), jnp.float32),
    )(acc_parts, g_t3, deg_parts, b_c)


def kernel(x, edge_index, W, b):
    n = x.shape[0]
    oc = W.shape[1]
    np_ = 128 * ((n + 127) // 128)
    blk = 4352

    src32 = edge_index[0].astype(jnp.int32)
    dst32 = edge_index[1].astype(jnp.int32)
    x_t = x.T
    w_t = W.T
    b_c = b.reshape(oc, 1)
    z1 = jnp.zeros((1, np_), jnp.float32)

    deg_parts = _deg_hist(dst32, z1)
    g_t3 = _tc_g(x_t, w_t, deg_parts, blk)
    acc4 = _edge_pass(src32, dst32, g_t3, z1)
    out_t = _tc_out(acc4, g_t3, deg_parts, b_c, n, blk)
    return out_t.T

# --- scband reference (transcript-rebuilt; emitter-appended) ---
"""Pipeline reference for scband-brancho-brain-16166256902666 (READ-ONLY COPY).

The authoritative reference and input builder live on the scoring server;
editing this copy changes nothing except your own understanding.
"""

import jax, jax.numpy as jnp
import numpy as np

N_NODES = 100000
N_EDGES = 3200000
IN_CH = 16
OUT_CH = 8

def setup_inputs(seed: int = 0) -> dict:
    key = jax.random.key(seed)
    k1, k2, k3, k4 = jax.random.split(key, 4)
    x = jax.random.normal(k1, (N_NODES, IN_CH), dtype=jnp.float32)
    edge_index = jax.random.randint(k2, (2, N_EDGES), 0, N_NODES, dtype=jnp.int64)
    W = jax.random.normal(k3, (IN_CH, OUT_CH), dtype=jnp.float32) * (1.0 / np.sqrt(IN_CH))
    b = jnp.zeros((OUT_CH,), dtype=jnp.float32)
    return {"x": x, "edge_index": edge_index, "W": W, "b": b}

def reference(x, edge_index, W, b):
    # GCNConv(16, 8) with default add_self_loops=True, normalize=True, bias=True
    N = x.shape[0]
    src = edge_index[0]
    dst = edge_index[1]
    loop = jnp.arange(N, dtype=src.dtype)
    src = jnp.concatenate([src, loop], axis=0)
    dst = jnp.concatenate([dst, loop], axis=0)
    # symmetric normalization: deg computed on destination (col) with edge weight 1
    ones = jnp.ones(dst.shape[0], dtype=x.dtype)
    deg = jax.ops.segment_sum(ones, dst, num_segments=N)
    deg_inv_sqrt = jnp.where(deg > 0, jax.lax.rsqrt(jnp.maximum(deg, 1e-12)), 0.0)
    norm = deg_inv_sqrt[src] * deg_inv_sqrt[dst]
    # linear transform then propagate (gather on src, scatter-add on dst)
    h = x @ W
    msg = h[src] * norm[:, None]
    out = jax.ops.segment_sum(msg, dst, num_segments=N)
    return out + b

if __name__ == "__main__":
    import jax
    _d = setup_inputs()
    print(jax.jit(kernel)(*tuple(_d.values())))

</pallas_src>

<mosaic_0001>
#map = affine_map<(d0, d1) -> (0)>
#map1 = affine_map<(d0, d1) -> (0, 0, 0)>
#map2 = affine_map<(d0, d1) -> (0, 0)>
#map3 = affine_map<(d0, d1) -> (0, 0, 0, 0)>
module attributes {stable_mosaic.version = 14 : i64} {
  func.func @k(%arg0: i32, %arg1: i32, %arg2: memref<3200000xi32, #tpu.memory_space<hbm>>, %arg3: memref<3200000xi32, #tpu.memory_space<hbm>>, %arg4: memref<8x1x100096xf32, #tpu.memory_space<hbm>>, %arg5: memref<1x100096xf32, #tpu.memory_space<hbm>>, %arg6: memref<4x8x1x100096xf32, #tpu.memory_space<hbm>>, %arg7: memref<8x1x3200000xf32, #tpu.memory_space<hbm>>, %arg8: memref<1x100096xf32, #tpu.memory_space<vmem>>, %arg9: memref<6400xi32, #tpu.memory_space<vmem>>, %arg10: memref<6400xi32, #tpu.memory_space<vmem>>, %arg11: memref<6400xf32, #tpu.memory_space<vmem>>, %arg12: memref<6400xf32, #tpu.memory_space<vmem>>, %arg13: memref<!tpu.dma_semaphore, #tpu.memory_space<semaphore_mem>>, %arg14: memref<!tpu.dma_semaphore, #tpu.memory_space<semaphore_mem>>, %arg15: memref<!tpu.dma_semaphore, #tpu.memory_space<semaphore_mem>>, %arg16: memref<!tpu.dma_semaphore, #tpu.memory_space<semaphore_mem>>) attributes {dimension_semantics = [#tpu.dimension_semantics<core_parallel>, #tpu.dimension_semantics<subcore_parallel>], iteration_bounds = array<i64: 2, 16>, scalar_prefetch = 0 : i64, scratch_operands = 9 : i64, tpu.core_type = #tpu.core_type<sc_vector_subcore>, window_params = [{transform_indices = #map}, {transform_indices = #map}, {transform_indices = #map1}, {transform_indices = #map2}, {transform_indices = #map3}, {transform_indices = #map1}]} {
    %mul3A = arith.constant 2 : i32
    %mul3A_0 = arith.muli %arg1, %mul3A : i32
    %add3A = arith.addi %mul3A_0, %arg0 : i32
    %jit3A = arith.constant 8 : i32
    %eq3A = arith.constant 0 : i32
    %eq3A_1 = arith.cmpi eq, %jit3A, %eq3A : i32
    %jit3A_2 = arith.constant 1 : i32
    %select_n3A = arith.select %eq3A_1, %jit3A_2, %jit3A : i32
    %rem3A = arith.remsi %add3A, %select_n3A : i32
    %ne3A = arith.constant 0 : i32
    %ne3A_3 = arith.cmpi ne, %rem3A, %ne3A : i32
    %lt3A = arith.constant 0 : i32
    %lt3A_4 = arith.cmpi slt, %rem3A, %lt3A : i32
    %lt3A_5 = arith.constant 0 : i32
    %lt3A_6 = arith.cmpi slt, %select_n3A, %lt3A_5 : i32
    %ne3A_7 = arith.xori %lt3A_4, %lt3A_6 : i1
    %and3A = arith.andi %ne3A_7, %ne3A_3 : i1
    %add3A_8 = arith.addi %rem3A, %select_n3A : i32
    %select_n3A_9 = arith.select %and3A, %add3A_8, %rem3A : i32
    %jit3A_10 = arith.constant 8 : i32
    %div3A = arith.divsi %add3A, %jit3A_10 : i32
    %sign3A = arith.constant 0 : i32
    %sign3A_11 = arith.cmpi sgt, %add3A, %sign3A : i32
    %sign3A_12 = arith.extui %sign3A_11 : i1 to i32
    %sign3A_13 = arith.constant 0 : i32
    %sign3A_14 = arith.cmpi slt, %add3A, %sign3A_13 : i32
    %sign3A_15 = arith.extui %sign3A_14 : i1 to i32
    %sign3A_16 = arith.subi %sign3A_12, %sign3A_15 : i32
    %sign3A_17 = arith.constant 0 : i32
    %sign3A_18 = arith.cmpi sgt, %jit3A_10, %sign3A_17 : i32
    %sign3A_19 = arith.extui %sign3A_18 : i1 to i32
    %sign3A_20 = arith.constant 0 : i32
    %sign3A_21 = arith.cmpi slt, %jit3A_10, %sign3A_20 : i32
    %sign3A_22 = arith.extui %sign3A_21 : i1 to i32
    %sign3A_23 = arith.subi %sign3A_19, %sign3A_22 : i32
    %ne3A_24 = arith.cmpi ne, %sign3A_16, %sign3A_23 : i32
    %rem3A_25 = arith.remsi %add3A, %jit3A_10 : i32
    %ne3A_26 = arith.constant 0 : i32
    %ne3A_27 = arith.cmpi ne, %rem3A_25, %ne3A_26 : i32
    %and3A_28 = arith.andi %ne3A_24, %ne3A_27 : i1
    %sub3A = arith.constant 1 : i32
    %sub3A_29 = arith.subi %div3A, %sub3A : i32
    %select_n3A_30 = arith.select %and3A_28, %sub3A_29, %div3A : i32
    "tpu.region"() ({
      %run_scoped3A = tpu.sem_alloc : memref<!tpu.dma_semaphore, #tpu.memory_space<semaphore_mem>>
      %dma_start3A_138 = arith.constant 0 : i32
      %dma_start3A_139 = arith.constant 0 : i32
      %dma_start3A_140 = tpu.memref_slice %arg4[%select_n3A_9, %dma_start3A_138, %dma_start3A_139] : memref<8x1x100096xf32, #tpu.memory_space<hbm>> -> memref<1x1x100096xf32, #tpu.memory_space<hbm>>
      %dma_start3A_141 = tpu.memref_squeeze %dma_start3A_140 : memref<1x1x100096xf32, #tpu.memory_space<hbm>> -> memref<1x100096xf32, #tpu.memory_space<hbm>>
      %dma_start3A_142 = arith.constant 0 : i32
      %dma_start3A_143 = arith.constant 0 : i32
      %dma_start3A_144 = tpu.memref_slice %arg4[%select_n3A_9, %dma_start3A_142, %dma_start3A_143] : memref<8x1x100096xf32, #tpu.memory_space<hbm>> -> memref<1x1x100096xf32, #tpu.memory_space<hbm>>
      %dma_start3A_145 = tpu.memref_squeeze %dma_start3A_144 : memref<1x1x100096xf32, #tpu.memory_space<hbm>> -> memref<1x100096xf32, #tpu.memory_space<hbm>>
      tpu.enqueue_dma source(%dma_start3A_145 : memref<1x100096xf32, #tpu.memory_space<hbm>>) target(%arg8 : memref<1x100096xf32, #tpu.memory_space<vmem>>) target_semaphore(%run_scoped3A : memref<!tpu.dma_semaphore, #tpu.memory_space<semaphore_mem>>)
      %dma_wait3A_146 = arith.constant 0 : i32
      %dma_wait3A_147 = arith.constant 0 : i32
      %dma_wait3A_148 = tpu.memref_slice %arg4[%select_n3A_9, %dma_wait3A_146, %dma_wait3A_147] : memref<8x1x100096xf32, #tpu.memory_space<hbm>> -> memref<1x1x100096xf32, #tpu.memory_space<hbm>>
      %dma_wait3A_149 = tpu.memref_squeeze %dma_wait3A_148 : memref<1x1x100096xf32, #tpu.memory_space<hbm>> -> memref<1x100096xf32, #tpu.memory_space<hbm>>
      %dma_wait3A_150 = arith.constant 0 : i32
      %dma_wait3A_151 = arith.constant 0 : i32
      %dma_wait3A_152 = tpu.memref_slice %arg4[%select_n3A_9, %dma_wait3A_150, %dma_wait3A_151] : memref<8x1x100096xf32, #tpu.memory_space<hbm>> -> memref<1x1x100096xf32, #tpu.memory_space<hbm>>
      %dma_wait3A_153 = tpu.memref_squeeze %dma_wait3A_152 : memref<1x1x100096xf32, #tpu.memory_space<hbm>> -> memref<1x100096xf32, #tpu.memory_space<hbm>>
      tpu.wait_dma2 semaphore(%run_scoped3A : memref<!tpu.dma_semaphore, #tpu.memory_space<semaphore_mem>>) src(%dma_wait3A_153 : memref<1x100096xf32, #tpu.memory_space<hbm>>) dst(%arg8 : memref<1x100096xf32, #tpu.memory_space<vmem>>)
      tpu.yield
    }) : () -> ()
    %broadcast_in_dim3A = arith.constant 0 : i32
    %broadcast_in_dim3A_31 = vector.broadcast %broadcast_in_dim3A : i32 to vector<16xi32>
    %mul3A_32 = arith.constant 800000 : i32
    %mul3A_33 = arith.muli %select_n3A_30, %mul3A_32 : i32
    %min3A = arith.constant 0 : i32
    %min3A_34 = arith.constant 124 : i32
    %min3A_35 = arith.minsi %min3A, %min3A_34 : i32
    %mul3A_36 = arith.constant 6400 : i32
    %mul3A_37 = arith.muli %min3A_35, %mul3A_36 : i32
    %add3A_38 = arith.addi %mul3A_33, %mul3A_37 : i32
    %dma_start3A = tpu.memref_slice %arg2[%add3A_38] : memref<3200000xi32, #tpu.memory_space<hbm>> -> memref<6400xi32, #tpu.memory_space<hbm>>
    %dma_start3A_39 = tpu.memref_slice %arg2[%add3A_38] : memref<3200000xi32, #tpu.memory_space<hbm>> -> memref<6400xi32, #tpu.memory_space<hbm>>
    tpu.enqueue_dma source(%dma_start3A_39 : memref<6400xi32, #tpu.memory_space<hbm>>) target(%arg9 : memref<6400xi32, #tpu.memory_space<vmem>>) target_semaphore(%arg13 : memref<!tpu.dma_semaphore, #tpu.memory_space<semaphore_mem>>)
    %min3A_40 = arith.constant 1 : i32
    %min3A_41 = arith.constant 124 : i32
    %min3A_42 = arith.minsi %min3A_40, %min3A_41 : i32
    %mul3A_43 = arith.constant 6400 : i32
    %mul3A_44 = arith.muli %min3A_42, %mul3A_43 : i32
    %add3A_45 = arith.addi %mul3A_33, %mul3A_44 : i32
    %dma_start3A_46 = tpu.memref_slice %arg2[%add3A_45] : memref<3200000xi32, #tpu.memory_space<hbm>> -> memref<6400xi32, #tpu.memory_space<hbm>>
    %dma_start3A_47 = tpu.memref_slice %arg2[%add3A_45] : memref<3200000xi32, #tpu.memory_space<hbm>> -> memref<6400xi32, #tpu.memory_space<hbm>>
    tpu.enqueue_dma source(%dma_start3A_47 : memref<6400xi32, #tpu.memory_space<hbm>>) target(%arg10 : memref<6400xi32, #tpu.memory_space<vmem>>) target_semaphore(%arg14 : memref<!tpu.dma_semaphore, #tpu.memory_space<semaphore_mem>>)
    %scan3A = arith.constant 0 : i32
    %scan3A_48 = arith.constant 63 : i32
    %scan3A_49 = arith.addi %scan3A, %scan3A_48 : i32
    %scan3A_50 = arith.constant 1 : i32
    scf.for %scan3A_138 = %scan3A to %scan3A_49 step %scan3A_50  : i32 {
      %mul3A_139 = arith.constant 2 : i32
      %mul3A_140 = arith.muli %scan3A_138, %mul3A_139 : i32
      %add3A_141 = arith.constant 0 : i32
      %add3A_142 = arith.addi %add3A_141, %mul3A_140 : i32
      %dma_wait3A_143 = arith.constant 0 : i32
      %dma_wait3A_144 = tpu.memref_slice %arg2[%dma_wait3A_143] : memref<3200000xi32, #tpu.memory_space<hbm>> -> memref<6400xi32, #tpu.memory_space<hbm>>
      %dma_wait3A_145 = arith.constant 0 : i32
      %dma_wait3A_146 = tpu.memref_slice %arg2[%dma_wait3A_145] : memref<3200000xi32, #tpu.memory_space<hbm>> -> memref<6400xi32, #tpu.memory_space<hbm>>
      tpu.wait_dma2 semaphore(%arg13 : memref<!tpu.dma_semaphore, #tpu.memory_space<semaphore_mem>>) src(%dma_wait3A_146 : memref<6400xi32, #tpu.memory_space<hbm>>) dst(%arg9 : memref<6400xi32, #tpu.memory_space<vmem>>)
      %ge3A = arith.constant 2 : i32
      %ge3A_147 = arith.cmpi sge, %add3A_142, %ge3A : i32
      %convert_element_type3A = arith.extui %ge3A_147 : i1 to i32
      %cond3A = arith.constant 0 : i32
      %cond3A_148 = arith.cmpi ne, %convert_element_type3A, %cond3A : i32
      scf.if %cond3A_148 {
        %dma_wait3A_177 = arith.constant 0 : i32
        %dma_wait3A_178 = arith.constant 0 : i32
        %dma_wait3A_179 = tpu.memref_slice %arg7[%select_n3A_9, %dma_wait3A_177, %dma_wait3A_178] : memref<8x1x3200000xf32, #tpu.memory_space<hbm>> -> memref<1x1x6400xf32, #tpu.memory_space<hbm>>
        %dma_wait3A_180 = tpu.memref_squeeze %dma_wait3A_179 : memref<1x1x6400xf32, #tpu.memory_space<hbm>> -> memref<6400xf32, #tpu.memory_space<hbm>>
        %dma_wait3A_181 = arith.constant 0 : i32
        %dma_wait3A_182 = tpu.memref_slice %arg7[%select_n3A_9, %dma_wait3A_177, %dma_wait3A_181] : memref<8x1x3200000xf32, #tpu.memory_space<hbm>> -> memref<1x1x6400xf32, #tpu.memory_space<hbm>>
        %dma_wait3A_183 = tpu.memref_squeeze %dma_wait3A_182 : memref<1x1x6400xf32, #tpu.memory_space<hbm>> -> memref<6400xf32, #tpu.memory_space<hbm>>
        tpu.wait_dma2 semaphore(%arg15 : memref<!tpu.dma_semaphore, #tpu.memory_space<semaphore_mem>>) src(%arg11 : memref<6400xf32, #tpu.memory_space<vmem>>) dst(%dma_wait3A_183 : memref<6400xf32, #tpu.memory_space<hbm>>)
      } else {
      }
      %parallel_loop3A = arith.constant 0 : i32
      %parallel_loop3A_149 = arith.constant 6400 : i32
      %parallel_loop3A_150 = arith.constant 16 : i32
      scf.for %parallel_loop3A_177 = %parallel_loop3A to %parallel_loop3A_149 step %parallel_loop3A_150  : i32 {
        %parallel_loop3A_178 = arith.index_cast %parallel_loop3A_177 : i32 to index
        %parallel_loop3A_179 = tpu.vector_load %arg9[%parallel_loop3A_178] {strides = array<i32>} : memref<6400xi32, #tpu.memory_space<vmem>>, vector<16xi32>,
        %parallel_loop3A_180 = tpu.vector_load_idx %arg8[%broadcast_in_dim3A_31, %parallel_loop3A_179] : memref<1x100096xf32, #tpu.memory_space<vmem>>[vector<16xi32>, vector<16xi32>], vector<16xf32>,
        %parallel_loop3A_181 = arith.index_cast %parallel_loop3A_177 : i32 to index
        %parallel_loop3A_182 = tpu.vector_load %arg11[%parallel_loop3A_181] {strides = array<i32>} : memref<6400xf32, #tpu.memory_space<vmem>>, vector<16xf32>,
        tpu.vector_store %arg11[%parallel_loop3A_181], %parallel_loop3A_180 {strides = array<i32>} : memref<6400xf32, #tpu.memory_space<vmem>>, vector<16xf32>,
      } {sc.loop_unroll_factor = 16 : i64, sc.parallel_access}
      %min3A_151 = arith.constant 124 : i32
      %min3A_152 = arith.minsi %add3A_142, %min3A_151 : i32
      %mul3A_153 = arith.constant 6400 : i32
      %mul3A_154 = arith.muli %min3A_152, %mul3A_153 : i32
      %add3A_155 = arith.addi %mul3A_33, %mul3A_154 : i32
      %dma_start3A_156 = arith.constant 0 : i32
      %dma_start3A_157 = tpu.memref_slice %arg7[%select_n3A_9, %dma_start3A_156, %add3A_155] : memref<8x1x3200000xf32, #tpu.memory_space<hbm>> -> memref<1x1x6400xf32, #tpu.memory_space<hbm>>
      %dma_start3A_158 = tpu.memref_squeeze %dma_start3A_157 : memref<1x1x6400xf32, #tpu.memory_space<hbm>> -> memref<6400xf32, #tpu.memory_space<hbm>>
      %dma_start3A_159 = tpu.memref_slice %arg7[%select_n3A_9, %dma_start3A_156, %add3A_155] : memref<8x1x3200000xf32, #tpu.memory_space<hbm>> -> memref<1x1x6400xf32, #tpu.memory_space<hbm>>
      %dma_start3A_160 = tpu.memref_squeeze %dma_start3A_159 : memref<1x1x6400xf32, #tpu.memory_space<hbm>> -> memref<6400xf32, #tpu.memory_space<hbm>>
      tpu.enqueue_dma source(%arg11 : memref<6400xf32, #tpu.memory_space<vmem>>) target(%dma_start3A_160 : memref<6400xf32, #tpu.memory_space<hbm>>) target_semaphore(%arg15 : memref<!tpu.dma_semaphore, #tpu.memory_space<semaphore_mem>>)
      %add3A_161 = arith.constant 2 : i32
      %add3A_162 = arith.addi %add3A_142, %add3A_161 : i32
      %min3A_163 = arith.constant 124 : i32
      %min3A_164 = arith.minsi %add3A_162, %min3A_163 : i32
      %mul3A_165 = arith.constant 6400 : i32
      %mul3A_166 = arith.muli %min3A_164, %mul3A_165 : i32
      %add3A_167 = arith.addi %mul3A_33, %mul3A_166 : i32
      %dma_start3A_168 = tpu.memref_slice %arg2[%add3A_167] : memref<3200000xi32, #tpu.memory_space<hbm>> -> memref<6400xi32, #tpu.memory_space<hbm>>
      %dma_start3A_169 = tpu.memref_slice %arg2[%add3A_167] : memref<3200000xi32, #tpu.memory_space<hbm>> -> memref<6400xi32, #tpu.memory_space<hbm>>
      tpu.enqueue_dma source(%dma_start3A_169 : memref<6400xi32, #tpu.memory_space<hbm>>) target(%arg9 : memref<6400xi32, #tpu.memory_space<vmem>>) target_semaphore(%arg13 : memref<!tpu.dma_semaphore, #tpu.memory_space<semaphore_mem>>)
      %add3A_170 = arith.constant 1 : i32
      %add3A_171 = arith.addi %add3A_142, %add3A_170 : i32
      %lt3A_172 = arith.constant 125 : i32
      %lt3A_173 = arith.cmpi slt, %add3A_171, %lt3A_172 : i32
      %convert_element_type3A_174 = arith.extui %lt3A_173 : i1 to i32
      %cond3A_175 = arith.constant 0 : i32
      %cond3A_176 = arith.cmpi ne, %convert_element_type3A_174, %cond3A_175 : i32
      scf.if %cond3A_176 {
        %dma_wait3A_177 = arith.constant 0 : i32
        %dma_wait3A_178 = tpu.memref_slice %arg2[%dma_wait3A_177] : memref<3200000xi32, #tpu.memory_space<hbm>> -> memref<6400xi32, #tpu.memory_space<hbm>>
        %dma_wait3A_179 = arith.constant 0 : i32
        %dma_wait3A_180 = tpu.memref_slice %arg2[%dma_wait3A_179] : memref<3200000xi32, #tpu.memory_space<hbm>> -> memref<6400xi32, #tpu.memory_space<hbm>>
        tpu.wait_dma2 semaphore(%arg14 : memref<!tpu.dma_semaphore, #tpu.memory_space<semaphore_mem>>) src(%dma_wait3A_180 : memref<6400xi32, #tpu.memory_space<hbm>>) dst(%arg10 : memref<6400xi32, #tpu.memory_space<vmem>>)
        %ge3A_181 = arith.constant 2 : i32
        %ge3A_182 = arith.cmpi sge, %add3A_142, %ge3A_181 : i32
        %convert_element_type3A_183 = arith.extui %ge3A_182 : i1 to i32
        %cond3A_184 = arith.constant 0 : i32
        %cond3A_185 = arith.cmpi ne, %convert_element_type3A_183, %cond3A_184 : i32
        scf.if %cond3A_185 {
          %dma_wait3A_210 = arith.constant 0 : i32
          %dma_wait3A_211 = arith.constant 0 : i32
          %dma_wait3A_212 = tpu.memref_slice %arg7[%select_n3A_9, %dma_wait3A_210, %dma_wait3A_211] : memref<8x1x3200000xf32, #tpu.memory_space<hbm>> -> memref<1x1x6400xf32, #tpu.memory_space<hbm>>
          %dma_wait3A_213 = tpu.memref_squeeze %dma_wait3A_212 : memref<1x1x6400xf32, #tpu.memory_space<hbm>> -> memref<6400xf32, #tpu.memory_space<hbm>>
          %dma_wait3A_214 = arith.constant 0 : i32
          %dma_wait3A_215 = tpu.memref_slice %arg7[%select_n3A_9, %dma_wait3A_210, %dma_wait3A_214] : memref<8x1x3200000xf32, #tpu.memory_space<hbm>> -> memref<1x1x6400xf32, #tpu.memory_space<hbm>>
          %dma_wait3A_216 = tpu.memref_squeeze %dma_wait3A_215 : memref<1x1x6400xf32, #tpu.memory_space<hbm>> -> memref<6400xf32, #tpu.memory_space<hbm>>
          tpu.wait_dma2 semaphore(%arg16 : memref<!tpu.dma_semaphore, #tpu.memory_space<semaphore_mem>>) src(%arg12 : memref<6400xf32, #tpu.memory_space<vmem>>) dst(%dma_wait3A_216 : memref<6400xf32, #tpu.memory_space<hbm>>)
        } else {
        }
        %parallel_loop3A_186 = arith.constant 0 : i32
        %parallel_loop3A_187 = arith.constant 6400 : i32
        %parallel_loop3A_188 = arith.constant 16 : i32
        scf.for %parallel_loop3A_210 = %parallel_loop3A_186 to %parallel_loop3A_187 step %parallel_loop3A_188  : i32 {
          %parallel_loop3A_211 = arith.index_cast %parallel_loop3A_210 : i32 to index
          %parallel_loop3A_212 = tpu.vector_load %arg10[%parallel_loop3A_211] {strides = array<i32>} : memref<6400xi32, #tpu.memory_space<vmem>>, vector<16xi32>,
          %parallel_loop3A_213 = tpu.vector_load_idx %arg8[%broadcast_in_dim3A_31, %parallel_loop3A_212] : memref<1x100096xf32, #tpu.memory_space<vmem>>[vector<16xi32>, vector<16xi32>], vector<16xf32>,
          %parallel_loop3A_214 = arith.index_cast %parallel_loop3A_210 : i32 to index
          %parallel_loop3A_215 = tpu.vector_load %arg12[%parallel_loop3A_214] {strides = array<i32>} : memref<6400xf32, #tpu.memory_space<vmem>>, vector<16xf32>,
          tpu.vector_store %arg12[%parallel_loop3A_214], %parallel_loop3A_213 {strides = array<i32>} : memref<6400xf32, #tpu.memory_space<vmem>>, vector<16xf32>,
        } {sc.loop_unroll_factor = 16 : i64, sc.parallel_access}
        %add3A_189 = arith.constant 1 : i32
        %add3A_190 = arith.addi %add3A_142, %add3A_189 : i32
        %min3A_191 = arith.constant 124 : i32
        %min3A_192 = arith.minsi %add3A_190, %min3A_191 : i32
        %mul3A_193 = arith.constant 6400 : i32
        %mul3A_194 = arith.muli %min3A_192, %mul3A_193 : i32
        %add3A_195 = arith.addi %mul3A_33, %mul3A_194 : i32
        %dma_start3A_196 = arith.constant 0 : i32
        %dma_start3A_197 = tpu.memref_slice %arg7[%select_n3A_9, %dma_start3A_196, %add3A_195] : memref<8x1x3200000xf32, #tpu.memory_space<hbm>> -> memref<1x1x6400xf32, #tpu.memory_space<hbm>>
        %dma_start3A_198 = tpu.memref_squeeze %dma_start3A_197 : memref<1x1x6400xf32, #tpu.memory_space<hbm>> -> memref<6400xf32, #tpu.memory_space<hbm>>
        %dma_start3A_199 = tpu.memref_slice %arg7[%select_n3A_9, %dma_start3A_196, %add3A_195] : memref<8x1x3200000xf32, #tpu.memory_space<hbm>> -> memref<1x1x6400xf32, #tpu.memory_space<hbm>>
        %dma_start3A_200 = tpu.memref_squeeze %dma_start3A_199 : memref<1x1x6400xf32, #tpu.memory_space<hbm>> -> memref<6400xf32, #tpu.memory_space<hbm>>
        tpu.enqueue_dma source(%arg12 : memref<6400xf32, #tpu.memory_space<vmem>>) target(%dma_start3A_200 : memref<6400xf32, #tpu.memory_space<hbm>>) target_semaphore(%arg16 : memref<!tpu.dma_semaphore, #tpu.memory_space<semaphore_mem>>)
        %add3A_201 = arith.constant 3 : i32
        %add3A_202 = arith.addi %add3A_142, %add3A_201 : i32
        %min3A_203 = arith.constant 124 : i32
        %min3A_204 = arith.minsi %add3A_202, %min3A_203 : i32
        %mul3A_205 = arith.constant 6400 : i32
        %mul3A_206 = arith.muli %min3A_204, %mul3A_205 : i32
        %add3A_207 = arith.addi %mul3A_33, %mul3A_206 : i32
        %dma_start3A_208 = tpu.memref_slice %arg2[%add3A_207] : memref<3200000xi32, #tpu.memory_space<hbm>> -> memref<6400xi32, #tpu.memory_space<hbm>>
        %dma_start3A_209 = tpu.memref_slice %arg2[%add3A_207] : memref<3200000xi32, #tpu.memory_space<hbm>> -> memref<6400xi32, #tpu.memory_space<hbm>>
        tpu.enqueue_dma source(%dma_start3A_209 : memref<6400xi32, #tpu.memory_space<hbm>>) target(%arg10 : memref<6400xi32, #tpu.memory_space<vmem>>) target_semaphore(%arg14 : memref<!tpu.dma_semaphore, #tpu.memory_space<semaphore_mem>>)
      } else {
      }
    }
    %scan3A_51 = arith.constant 63 : i32
    %dma_wait3A = arith.constant 0 : i32
    %dma_wait3A_52 = tpu.memref_slice %arg2[%dma_wait3A] : memref<3200000xi32, #tpu.memory_space<hbm>> -> memref<6400xi32, #tpu.memory_space<hbm>>
    %dma_wait3A_53 = arith.constant 0 : i32
    %dma_wait3A_54 = tpu.memref_slice %arg2[%dma_wait3A_53] : memref<3200000xi32, #tpu.memory_space<hbm>> -> memref<6400xi32, #tpu.memory_space<hbm>>
    tpu.wait_dma2 semaphore(%arg13 : memref<!tpu.dma_semaphore, #tpu.memory_space<semaphore_mem>>) src(%dma_wait3A_54 : memref<6400xi32, #tpu.memory_space<hbm>>) dst(%arg9 : memref<6400xi32, #tpu.memory_space<vmem>>)
    %dma_wait3A_55 = arith.constant 0 : i32
    %dma_wait3A_56 = tpu.memref_slice %arg2[%dma_wait3A_55] : memref<3200000xi32, #tpu.memory_space<hbm>> -> memref<6400xi32, #tpu.memory_space<hbm>>
    %dma_wait3A_57 = arith.constant 0 : i32
    %dma_wait3A_58 = tpu.memref_slice %arg2[%dma_wait3A_57] : memref<3200000xi32, #tpu.memory_space<hbm>> -> memref<6400xi32, #tpu.memory_space<hbm>>
    tpu.wait_dma2 semaphore(%arg14 : memref<!tpu.dma_semaphore, #tpu.memory_space<semaphore_mem>>) src(%dma_wait3A_58 : memref<6400xi32, #tpu.memory_space<hbm>>) dst(%arg10 : memref<6400xi32, #tpu.memory_space<vmem>>)
    %dma_wait3A_59 = arith.constant 0 : i32
    %dma_wait3A_60 = arith.constant 0 : i32
    %dma_wait3A_61 = tpu.memref_slice %arg7[%select_n3A_9, %dma_wait3A_59, %dma_wait3A_60] : memref<8x1x3200000xf32, #tpu.memory_space<hbm>> -> memref<1x1x6400xf32, #tpu.memory_space<hbm>>
    %dma_wait3A_62 = tpu.memref_squeeze %dma_wait3A_61 : memref<1x1x6400xf32, #tpu.memory_space<hbm>> -> memref<6400xf32, #tpu.memory_space<hbm>>
    %dma_wait3A_63 = arith.constant 0 : i32
    %dma_wait3A_64 = tpu.memref_slice %arg7[%select_n3A_9, %dma_wait3A_59, %dma_wait3A_63] : memref<8x1x3200000xf32, #tpu.memory_space<hbm>> -> memref<1x1x6400xf32, #tpu.memory_space<hbm>>
    %dma_wait3A_65 = tpu.memref_squeeze %dma_wait3A_64 : memref<1x1x6400xf32, #tpu.memory_space<hbm>> -> memref<6400xf32, #tpu.memory_space<hbm>>
    tpu.wait_dma2 semaphore(%arg15 : memref<!tpu.dma_semaphore, #tpu.memory_space<semaphore_mem>>) src(%arg11 : memref<6400xf32, #tpu.memory_space<vmem>>) dst(%dma_wait3A_65 : memref<6400xf32, #tpu.memory_space<hbm>>)
    %dma_wait3A_66 = arith.constant 0 : i32
    %dma_wait3A_67 = arith.constant 0 : i32
    %dma_wait3A_68 = tpu.memref_slice %arg7[%select_n3A_9, %dma_wait3A_66, %dma_wait3A_67] : memref<8x1x3200000xf32, #tpu.memory_space<hbm>> -> memref<1x1x6400xf32, #tpu.memory_space<hbm>>
    %dma_wait3A_69 = tpu.memref_squeeze %dma_wait3A_68 : memref<1x1x6400xf32, #tpu.memory_space<hbm>> -> memref<6400xf32, #tpu.memory_space<hbm>>
    %dma_wait3A_70 = arith.constant 0 : i32
    %dma_wait3A_71 = tpu.memref_slice %arg7[%select_n3A_9, %dma_wait3A_66, %dma_wait3A_70] : memref<8x1x3200000xf32, #tpu.memory_space<hbm>> -> memref<1x1x6400xf32, #tpu.memory_space<hbm>>
    %dma_wait3A_72 = tpu.memref_squeeze %dma_wait3A_71 : memref<1x1x6400xf32, #tpu.memory_space<hbm>> -> memref<6400xf32, #tpu.memory_space<hbm>>
    tpu.wait_dma2 semaphore(%arg16 : memref<!tpu.dma_semaphore, #tpu.memory_space<semaphore_mem>>) src(%arg12 : memref<6400xf32, #tpu.memory_space<vmem>>) dst(%dma_wait3A_72 : memref<6400xf32, #tpu.memory_space<hbm>>)
    "tpu.region"() ({
      %run_scoped3A = tpu.sem_alloc : memref<!tpu.dma_semaphore, #tpu.memory_space<semaphore_mem>>
      tpu.enqueue_dma source(%arg5 : memref<1x100096xf32, #tpu.memory_space<hbm>>) target(%arg8 : memref<1x100096xf32, #tpu.memory_space<vmem>>) target_semaphore(%run_scoped3A : memref<!tpu.dma_semaphore, #tpu.memory_space<semaphore_mem>>)
      tpu.wait_dma2 semaphore(%run_scoped3A : memref<!tpu.dma_semaphore, #tpu.memory_space<semaphore_mem>>) src(%arg5 : memref<1x100096xf32, #tpu.memory_space<hbm>>) dst(%arg8 : memref<1x100096xf32, #tpu.memory_space<vmem>>)
      tpu.yield
    }) : () -> ()
    %min3A_73 = arith.constant 0 : i32
    %min3A_74 = arith.constant 124 : i32
    %min3A_75 = arith.minsi %min3A_73, %min3A_74 : i32
    %mul3A_76 = arith.constant 6400 : i32
    %mul3A_77 = arith.muli %min3A_75, %mul3A_76 : i32
    %add3A_78 = arith.addi %mul3A_33, %mul3A_77 : i32
    %dma_start3A_79 = tpu.memref_slice %arg3[%add3A_78] : memref<3200000xi32, #tpu.memory_space<hbm>> -> memref<6400xi32, #tpu.memory_space<hbm>>
    %dma_start3A_80 = tpu.memref_slice %arg3[%add3A_78] : memref<3200000xi32, #tpu.memory_space<hbm>> -> memref<6400xi32, #tpu.memory_space<hbm>>
    tpu.enqueue_dma source(%dma_start3A_80 : memref<6400xi32, #tpu.memory_space<hbm>>) target(%arg9 : memref<6400xi32, #tpu.memory_space<vmem>>) target_semaphore(%arg13 : memref<!tpu.dma_semaphore, #tpu.memory_space<semaphore_mem>>)
    %min3A_81 = arith.constant 0 : i32
    %min3A_82 = arith.constant 124 : i32
    %min3A_83 = arith.minsi %min3A_81, %min3A_82 : i32
    %mul3A_84 = arith.constant 6400 : i32
    %mul3A_85 = arith.muli %min3A_83, %mul3A_84 : i32
    %add3A_86 = arith.addi %mul3A_33, %mul3A_85 : i32
    %dma_start3A_87 = arith.constant 0 : i32
    %dma_start3A_88 = tpu.memref_slice %arg7[%select_n3A_9, %dma_start3A_87, %add3A_86] : memref<8x1x3200000xf32, #tpu.memory_space<hbm>> -> memref<1x1x6400xf32, #tpu.memory_space<hbm>>
    %dma_start3A_89 = tpu.memref_squeeze %dma_start3A_88 : memref<1x1x6400xf32, #tpu.memory_space<hbm>> -> memref<6400xf32, #tpu.memory_space<hbm>>
    %dma_start3A_90 = tpu.memref_slice %arg7[%select_n3A_9, %dma_start3A_87, %add3A_86] : memref<8x1x3200000xf32, #tpu.memory_space<hbm>> -> memref<1x1x6400xf32, #tpu.memory_space<hbm>>
    %dma_start3A_91 = tpu.memref_squeeze %dma_start3A_90 : memref<1x1x6400xf32, #tpu.memory_space<hbm>> -> memref<6400xf32, #tpu.memory_space<hbm>>
    tpu.enqueue_dma source(%dma_start3A_91 : memref<6400xf32, #tpu.memory_space<hbm>>) target(%arg11 : memref<6400xf32, #tpu.memory_space<vmem>>) target_semaphore(%arg15 : memref<!tpu.dma_semaphore, #tpu.memory_space<semaphore_mem>>)
    %min3A_92 = arith.constant 1 : i32
    %min3A_93 = arith.constant 124 : i32
    %min3A_94 = arith.minsi %min3A_92, %min3A_93 : i32
    %mul3A_95 = arith.constant 6400 : i32
    %mul3A_96 = arith.muli %min3A_94, %mul3A_95 : i32
    %add3A_97 = arith.addi %mul3A_33, %mul3A_96 : i32
    %dma_start3A_98 = tpu.memref_slice %arg3[%add3A_97] : memref<3200000xi32, #tpu.memory_space<hbm>> -> memref<6400xi32, #tpu.memory_space<hbm>>
    %dma_start3A_99 = tpu.memref_slice %arg3[%add3A_97] : memref<3200000xi32, #tpu.memory_space<hbm>> -> memref<6400xi32, #tpu.memory_space<hbm>>
    tpu.enqueue_dma source(%dma_start3A_99 : memref<6400xi32, #tpu.memory_space<hbm>>) target(%arg10 : memref<6400xi32, #tpu.memory_space<vmem>>) target_semaphore(%arg14 : memref<!tpu.dma_semaphore, #tpu.memory_space<semaphore_mem>>)
    %min3A_100 = arith.constant 1 : i32
    %min3A_101 = arith.constant 124 : i32
    %min3A_102 = arith.minsi %min3A_100, %min3A_101 : i32
    %mul3A_103 = arith.constant 6400 : i32
    %mul3A_104 = arith.muli %min3A_102, %mul3A_103 : i32
    %add3A_105 = arith.addi %mul3A_33, %mul3A_104 : i32
    %dma_start3A_106 = arith.constant 0 : i32
    %dma_start3A_107 = tpu.memref_slice %arg7[%select_n3A_9, %dma_start3A_106, %add3A_105] : memref<8x1x3200000xf32, #tpu.memory_space<hbm>> -> memref<1x1x6400xf32, #tpu.memory_space<hbm>>
    %dma_start3A_108 = tpu.memref_squeeze %dma_start3A_107 : memref<1x1x6400xf32, #tpu.memory_space<hbm>> -> memref<6400xf32, #tpu.memory_space<hbm>>
    %dma_start3A_109 = tpu.memref_slice %arg7[%select_n3A_9, %dma_start3A_106, %add3A_105] : memref<8x1x3200000xf32, #tpu.memory_space<hbm>> -> memref<1x1x6400xf32, #tpu.memory_space<hbm>>
    %dma_start3A_110 = tpu.memref_squeeze %dma_start3A_109 : memref<1x1x6400xf32, #tpu.memory_space<hbm>> -> memref<6400xf32, #tpu.memory_space<hbm>>
    tpu.enqueue_dma source(%dma_start3A_110 : memref<6400xf32, #tpu.memory_space<hbm>>) target(%arg12 : memref<6400xf32, #tpu.memory_space<vmem>>) target_semaphore(%arg16 : memref<!tpu.dma_semaphore, #tpu.memory_space<semaphore_mem>>)
    %scan3A_111 = arith.constant 0 : i32
    %scan3A_112 = arith.constant 63 : i32
    %scan3A_113 = arith.addi %scan3A_111, %scan3A_112 : i32
    %scan3A_114 = arith.constant 1 : i32
    scf.for %scan3A_138 = %scan3A_111 to %scan3A_113 step %scan3A_114  : i32 {
      %mul3A_139 = arith.constant 2 : i32
      %mul3A_140 = arith.muli %scan3A_138, %mul3A_139 : i32
      %add3A_141 = arith.constant 0 : i32
      %add3A_142 = arith.addi %add3A_141, %mul3A_140 : i32
      %dma_wait3A_143 = arith.constant 0 : i32
      %dma_wait3A_144 = tpu.memref_slice %arg3[%dma_wait3A_143] : memref<3200000xi32, #tpu.memory_space<hbm>> -> memref<6400xi32, #tpu.memory_space<hbm>>
      %dma_wait3A_145 = arith.constant 0 : i32
      %dma_wait3A_146 = tpu.memref_slice %arg3[%dma_wait3A_145] : memref<3200000xi32, #tpu.memory_space<hbm>> -> memref<6400xi32, #tpu.memory_space<hbm>>
      tpu.wait_dma2 semaphore(%arg13 : memref<!tpu.dma_semaphore, #tpu.memory_space<semaphore_mem>>) src(%dma_wait3A_146 : memref<6400xi32, #tpu.memory_space<hbm>>) dst(%arg9 : memref<6400xi32, #tpu.memory_space<vmem>>)
      %dma_wait3A_147 = arith.constant 0 : i32
      %dma_wait3A_148 = arith.constant 0 : i32
      %dma_wait3A_149 = tpu.memref_slice %arg7[%select_n3A_9, %dma_wait3A_147, %dma_wait3A_148] : memref<8x1x3200000xf32, #tpu.memory_space<hbm>> -> memref<1x1x6400xf32, #tpu.memory_space<hbm>>
      %dma_wait3A_150 = tpu.memref_squeeze %dma_wait3A_149 : memref<1x1x6400xf32, #tpu.memory_space<hbm>> -> memref<6400xf32, #tpu.memory_space<hbm>>
      %dma_wait3A_151 = arith.constant 0 : i32
      %dma_wait3A_152 = tpu.memref_slice %arg7[%select_n3A_9, %dma_wait3A_147, %dma_wait3A_151] : memref<8x1x3200000xf32, #tpu.memory_space<hbm>> -> memref<1x1x6400xf32, #tpu.memory_space<hbm>>
      %dma_wait3A_153 = tpu.memref_squeeze %dma_wait3A_152 : memref<1x1x6400xf32, #tpu.memory_space<hbm>> -> memref<6400xf32, #tpu.memory_space<hbm>>
      tpu.wait_dma2 semaphore(%arg15 : memref<!tpu.dma_semaphore, #tpu.memory_space<semaphore_mem>>) src(%dma_wait3A_153 : memref<6400xf32, #tpu.memory_space<hbm>>) dst(%arg11 : memref<6400xf32, #tpu.memory_space<vmem>>)
      %parallel_loop3A = arith.constant 0 : i32
      %parallel_loop3A_154 = arith.constant 6400 : i32
      %parallel_loop3A_155 = arith.constant 16 : i32
      scf.for %parallel_loop3A_182 = %parallel_loop3A to %parallel_loop3A_154 step %parallel_loop3A_155  : i32 {
        %parallel_loop3A_183 = arith.index_cast %parallel_loop3A_182 : i32 to index
        %parallel_loop3A_184 = tpu.vector_load %arg9[%parallel_loop3A_183] {strides = array<i32>} : memref<6400xi32, #tpu.memory_space<vmem>>, vector<16xi32>,
        %parallel_loop3A_185 = arith.index_cast %parallel_loop3A_182 : i32 to index
        %parallel_loop3A_186 = tpu.vector_load %arg11[%parallel_loop3A_185] {strides = array<i32>} : memref<6400xf32, #tpu.memory_space<vmem>>, vector<16xf32>,
        tpu.vector_store_idx %arg8[%broadcast_in_dim3A_31, %parallel_loop3A_184], %parallel_loop3A_186 {add = true} : memref<1x100096xf32, #tpu.memory_space<vmem>>[vector<16xi32>, vector<16xi32>], vector<16xf32>,
      } {sc.loop_unroll_factor = 16 : i64, sc.parallel_access}
      %add3A_156 = arith.constant 2 : i32
      %add3A_157 = arith.addi %add3A_142, %add3A_156 : i32
      %min3A_158 = arith.constant 124 : i32
      %min3A_159 = arith.minsi %add3A_157, %min3A_158 : i32
      %mul3A_160 = arith.constant 6400 : i32
      %mul3A_161 = arith.muli %min3A_159, %mul3A_160 : i32
      %add3A_162 = arith.addi %mul3A_33, %mul3A_161 : i32
      %dma_start3A_163 = tpu.memref_slice %arg3[%add3A_162] : memref<3200000xi32, #tpu.memory_space<hbm>> -> memref<6400xi32, #tpu.memory_space<hbm>>
      %dma_start3A_164 = tpu.memref_slice %arg3[%add3A_162] : memref<3200000xi32, #tpu.memory_space<hbm>> -> memref<6400xi32, #tpu.memory_space<hbm>>
      tpu.enqueue_dma source(%dma_start3A_164 : memref<6400xi32, #tpu.memory_space<hbm>>) target(%arg9 : memref<6400xi32, #tpu.memory_space<vmem>>) target_semaphore(%arg13 : memref<!tpu.dma_semaphore, #tpu.memory_space<semaphore_mem>>)
      %add3A_165 = arith.constant 2 : i32
      %add3A_166 = arith.addi %add3A_142, %add3A_165 : i32
      %min3A_167 = arith.constant 124 : i32
      %min3A_168 = arith.minsi %add3A_166, %min3A_167 : i32
      %mul3A_169 = arith.constant 6400 : i32
      %mul3A_170 = arith.muli %min3A_168, %mul3A_169 : i32
      %add3A_171 = arith.addi %mul3A_33, %mul3A_170 : i32
      %dma_start3A_172 = arith.constant 0 : i32
      %dma_start3A_173 = tpu.memref_slice %arg7[%select_n3A_9, %dma_start3A_172, %add3A_171] : memref<8x1x3200000xf32, #tpu.memory_space<hbm>> -> memref<1x1x6400xf32, #tpu.memory_space<hbm>>
      %dma_start3A_174 = tpu.memref_squeeze %dma_start3A_173 : memref<1x1x6400xf32, #tpu.memory_space<hbm>> -> memref<6400xf32, #tpu.memory_space<hbm>>
      %dma_start3A_175 = tpu.memref_slice %arg7[%select_n3A_9, %dma_start3A_172, %add3A_171] : memref<8x1x3200000xf32, #tpu.memory_space<hbm>> -> memref<1x1x6400xf32, #tpu.memory_space<hbm>>
      %dma_start3A_176 = tpu.memref_squeeze %dma_start3A_175 : memref<1x1x6400xf32, #tpu.memory_space<hbm>> -> memref<6400xf32, #tpu.memory_space<hbm>>
      tpu.enqueue_dma source(%dma_start3A_176 : memref<6400xf32, #tpu.memory_space<hbm>>) target(%arg11 : memref<6400xf32, #tpu.memory_space<vmem>>) target_semaphore(%arg15 : memref<!tpu.dma_semaphore, #tpu.memory_space<semaphore_mem>>)
      %add3A_177 = arith.constant 1 : i32
      %add3A_178 = arith.addi %add3A_142, %add3A_177 : i32
      %lt3A_179 = arith.constant 125 : i32
      %lt3A_180 = arith.cmpi slt, %add3A_178, %lt3A_179 : i32
      %convert_element_type3A = arith.extui %lt3A_180 : i1 to i32
      %cond3A = arith.constant 0 : i32
      %cond3A_181 = arith.cmpi ne, %convert_element_type3A, %cond3A : i32
      scf.if %cond3A_181 {
        %dma_wait3A_182 = arith.constant 0 : i32
        %dma_wait3A_183 = tpu.memref_slice %arg3[%dma_wait3A_182] : memref<3200000xi32, #tpu.memory_space<hbm>> -> memref<6400xi32, #tpu.memory_space<hbm>>
        %dma_wait3A_184 = arith.constant 0 : i32
        %dma_wait3A_185 = tpu.memref_slice %arg3[%dma_wait3A_184] : memref<3200000xi32, #tpu.memory_space<hbm>> -> memref<6400xi32, #tpu.memory_space<hbm>>
        tpu.wait_dma2 semaphore(%arg14 : memref<!tpu.dma_semaphore, #tpu.memory_space<semaphore_mem>>) src(%dma_wait3A_185 : memref<6400xi32, #tpu.memory_space<hbm>>) dst(%arg10 : memref<6400xi32, #tpu.memory_space<vmem>>)
        %dma_wait3A_186 = arith.constant 0 : i32
        %dma_wait3A_187 = arith.constant 0 : i32
        %dma_wait3A_188 = tpu.memref_slice %arg7[%select_n3A_9, %dma_wait3A_186, %dma_wait3A_187] : memref<8x1x3200000xf32, #tpu.memory_space<hbm>> -> memref<1x1x6400xf32, #tpu.memory_space<hbm>>
        %dma_wait3A_189 = tpu.memref_squeeze %dma_wait3A_188 : memref<1x1x6400xf32, #tpu.memory_space<hbm>> -> memref<6400xf32, #tpu.memory_space<hbm>>
        %dma_wait3A_190 = arith.constant 0 : i32
        %dma_wait3A_191 = tpu.memref_slice %arg7[%select_n3A_9, %dma_wait3A_186, %dma_wait3A_190] : memref<8x1x3200000xf32, #tpu.memory_space<hbm>> -> memref<1x1x6400xf32, #tpu.memory_space<hbm>>
        %dma_wait3A_192 = tpu.memref_squeeze %dma_wait3A_191 : memref<1x1x6400xf32, #tpu.memory_space<hbm>> -> memref<6400xf32, #tpu.memory_space<hbm>>
        tpu.wait_dma2 semaphore(%arg16 : memref<!tpu.dma_semaphore, #tpu.memory_space<semaphore_mem>>) src(%dma_wait3A_192 : memref<6400xf32, #tpu.memory_space<hbm>>) dst(%arg12 : memref<6400xf32, #tpu.memory_space<vmem>>)
        %parallel_loop3A_193 = arith.constant 0 : i32
        %parallel_loop3A_194 = arith.constant 6400 : i32
        %parallel_loop3A_195 = arith.constant 16 : i32
        scf.for %parallel_loop3A_217 = %parallel_loop3A_193 to %parallel_loop3A_194 step %parallel_loop3A_195  : i32 {
          %parallel_loop3A_218 = arith.index_cast %parallel_loop3A_217 : i32 to index
          %parallel_loop3A_219 = tpu.vector_load %arg10[%parallel_loop3A_218] {strides = array<i32>} : memref<6400xi32, #tpu.memory_space<vmem>>, vector<16xi32>,
          %parallel_loop3A_220 = arith.index_cast %parallel_loop3A_217 : i32 to index
          %parallel_loop3A_221 = tpu.vector_load %arg12[%parallel_loop3A_220] {strides = array<i32>} : memref<6400xf32, #tpu.memory_space<vmem>>, vector<16xf32>,
          tpu.vector_store_idx %arg8[%broadcast_in_dim3A_31, %parallel_loop3A_219], %parallel_loop3A_221 {add = true} : memref<1x100096xf32, #tpu.memory_space<vmem>>[vector<16xi32>, vector<16xi32>], vector<16xf32>,
        } {sc.loop_unroll_factor = 16 : i64, sc.parallel_access}
        %add3A_196 = arith.constant 3 : i32
        %add3A_197 = arith.addi %add3A_142, %add3A_196 : i32
        %min3A_198 = arith.constant 124 : i32
        %min3A_199 = arith.minsi %add3A_197, %min3A_198 : i32
        %mul3A_200 = arith.constant 6400 : i32
        %mul3A_201 = arith.muli %min3A_199, %mul3A_200 : i32
        %add3A_202 = arith.addi %mul3A_33, %mul3A_201 : i32
        %dma_start3A_203 = tpu.memref_slice %arg3[%add3A_202] : memref<3200000xi32, #tpu.memory_space<hbm>> -> memref<6400xi32, #tpu.memory_space<hbm>>
        %dma_start3A_204 = tpu.memref_slice %arg3[%add3A_202] : memref<3200000xi32, #tpu.memory_space<hbm>> -> memref<6400xi32, #tpu.memory_space<hbm>>
        tpu.enqueue_dma source(%dma_start3A_204 : memref<6400xi32, #tpu.memory_space<hbm>>) target(%arg10 : memref<6400xi32, #tpu.memory_space<vmem>>) target_semaphore(%arg14 : memref<!tpu.dma_semaphore, #tpu.memory_space<semaphore_mem>>)
        %add3A_205 = arith.constant 3 : i32
        %add3A_206 = arith.addi %add3A_142, %add3A_205 : i32
        %min3A_207 = arith.constant 124 : i32
        %min3A_208 = arith.minsi %add3A_206, %min3A_207 : i32
        %mul3A_209 = arith.constant 6400 : i32
        %mul3A_210 = arith.muli %min3A_208, %mul3A_209 : i32
        %add3A_211 = arith.addi %mul3A_33, %mul3A_210 : i32
        %dma_start3A_212 = arith.constant 0 : i32
        %dma_start3A_213 = tpu.memref_slice %arg7[%select_n3A_9, %dma_start3A_212, %add3A_211] : memref<8x1x3200000xf32, #tpu.memory_space<hbm>> -> memref<1x1x6400xf32, #tpu.memory_space<hbm>>
        %dma_start3A_214 = tpu.memref_squeeze %dma_start3A_213 : memref<1x1x6400xf32, #tpu.memory_space<hbm>> -> memref<6400xf32, #tpu.memory_space<hbm>>
        %dma_start3A_215 = tpu.memref_slice %arg7[%select_n3A_9, %dma_start3A_212, %add3A_211] : memref<8x1x3200000xf32, #tpu.memory_space<hbm>> -> memref<1x1x6400xf32, #tpu.memory_space<hbm>>
        %dma_start3A_216 = tpu.memref_squeeze %dma_start3A_215 : memref<1x1x6400xf32, #tpu.memory_space<hbm>> -> memref<6400xf32, #tpu.memory_space<hbm>>
        tpu.enqueue_dma source(%dma_start3A_216 : memref<6400xf32, #tpu.memory_space<hbm>>) target(%arg12 : memref<6400xf32, #tpu.memory_space<vmem>>) target_semaphore(%arg16 : memref<!tpu.dma_semaphore, #tpu.memory_space<semaphore_mem>>)
      } else {
      }
    }
    %scan3A_115 = arith.constant 63 : i32
    %dma_wait3A_116 = arith.constant 0 : i32
    %dma_wait3A_117 = tpu.memref_slice %arg3[%dma_wait3A_116] : memref<3200000xi32, #tpu.memory_space<hbm>> -> memref<6400xi32, #tpu.memory_space<hbm>>
    %dma_wait3A_118 = arith.constant 0 : i32
    %dma_wait3A_119 = tpu.memref_slice %arg3[%dma_wait3A_118] : memref<3200000xi32, #tpu.memory_space<hbm>> -> memref<6400xi32, #tpu.memory_space<hbm>>
    tpu.wait_dma2 semaphore(%arg13 : memref<!tpu.dma_semaphore, #tpu.memory_space<semaphore_mem>>) src(%dma_wait3A_119 : memref<6400xi32, #tpu.memory_space<hbm>>) dst(%arg9 : memref<6400xi32, #tpu.memory_space<vmem>>)
    %dma_wait3A_120 = arith.constant 0 : i32
    %dma_wait3A_121 = tpu.memref_slice %arg3[%dma_wait3A_120] : memref<3200000xi32, #tpu.memory_space<hbm>> -> memref<6400xi32, #tpu.memory_space<hbm>>
    %dma_wait3A_122 = arith.constant 0 : i32
    %dma_wait3A_123 = tpu.memref_slice %arg3[%dma_wait3A_122] : memref<3200000xi32, #tpu.memory_space<hbm>> -> memref<6400xi32, #tpu.memory_space<hbm>>
    tpu.wait_dma2 semaphore(%arg14 : memref<!tpu.dma_semaphore, #tpu.memory_space<semaphore_mem>>) src(%dma_wait3A_123 : memref<6400xi32, #tpu.memory_space<hbm>>) dst(%arg10 : memref<6400xi32, #tpu.memory_space<vmem>>)
    %dma_wait3A_124 = arith.constant 0 : i32
    %dma_wait3A_125 = arith.constant 0 : i32
    %dma_wait3A_126 = tpu.memref_slice %arg7[%select_n3A_9, %dma_wait3A_124, %dma_wait3A_125] : memref<8x1x3200000xf32, #tpu.memory_space<hbm>> -> memref<1x1x6400xf32, #tpu.memory_space<hbm>>
    %dma_wait3A_127 = tpu.memref_squeeze %dma_wait3A_126 : memref<1x1x6400xf32, #tpu.memory_space<hbm>> -> memref<6400xf32, #tpu.memory_space<hbm>>
    %dma_wait3A_128 = arith.constant 0 : i32
    %dma_wait3A_129 = tpu.memref_slice %arg7[%select_n3A_9, %dma_wait3A_124, %dma_wait3A_128] : memref<8x1x3200000xf32, #tpu.memory_space<hbm>> -> memref<1x1x6400xf32, #tpu.memory_space<hbm>>
    %dma_wait3A_130 = tpu.memref_squeeze %dma_wait3A_129 : memref<1x1x6400xf32, #tpu.memory_space<hbm>> -> memref<6400xf32, #tpu.memory_space<hbm>>
    tpu.wait_dma2 semaphore(%arg15 : memref<!tpu.dma_semaphore, #tpu.memory_space<semaphore_mem>>) src(%dma_wait3A_130 : memref<6400xf32, #tpu.memory_space<hbm>>) dst(%arg11 : memref<6400xf32, #tpu.memory_space<vmem>>)
    %dma_wait3A_131 = arith.constant 0 : i32
    %dma_wait3A_132 = arith.constant 0 : i32
    %dma_wait3A_133 = tpu.memref_slice %arg7[%select_n3A_9, %dma_wait3A_131, %dma_wait3A_132] : memref<8x1x3200000xf32, #tpu.memory_space<hbm>> -> memref<1x1x6400xf32, #tpu.memory_space<hbm>>
    %dma_wait3A_134 = tpu.memref_squeeze %dma_wait3A_133 : memref<1x1x6400xf32, #tpu.memory_space<hbm>> -> memref<6400xf32, #tpu.memory_space<hbm>>
    %dma_wait3A_135 = arith.constant 0 : i32
    %dma_wait3A_136 = tpu.memref_slice %arg7[%select_n3A_9, %dma_wait3A_131, %dma_wait3A_135] : memref<8x1x3200000xf32, #tpu.memory_space<hbm>> -> memref<1x1x6400xf32, #tpu.memory_space<hbm>>
    %dma_wait3A_137 = tpu.memref_squeeze %dma_wait3A_136 : memref<1x1x6400xf32, #tpu.memory_space<hbm>> -> memref<6400xf32, #tpu.memory_space<hbm>>
    tpu.wait_dma2 semaphore(%arg16 : memref<!tpu.dma_semaphore, #tpu.memory_space<semaphore_mem>>) src(%dma_wait3A_137 : memref<6400xf32, #tpu.memory_space<hbm>>) dst(%arg12 : memref<6400xf32, #tpu.memory_space<vmem>>)
    "tpu.region"() ({
      %run_scoped3A = tpu.sem_alloc : memref<!tpu.dma_semaphore, #tpu.memory_space<semaphore_mem>>
      %dma_start3A_138 = arith.constant 0 : i32
      %dma_start3A_139 = arith.constant 0 : i32
      %dma_start3A_140 = tpu.memref_slice %arg6[%select_n3A_30, %select_n3A_9, %dma_start3A_138, %dma_start3A_139] : memref<4x8x1x100096xf32, #tpu.memory_space<hbm>> -> memref<1x1x1x100096xf32, #tpu.memory_space<hbm>>
      %dma_start3A_141 = tpu.memref_squeeze %dma_start3A_140 : memref<1x1x1x100096xf32, #tpu.memory_space<hbm>> -> memref<1x100096xf32, #tpu.memory_space<hbm>>
      %dma_start3A_142 = arith.constant 0 : i32
      %dma_start3A_143 = arith.constant 0 : i32
      %dma_start3A_144 = tpu.memref_slice %arg6[%select_n3A_30, %select_n3A_9, %dma_start3A_142, %dma_start3A_143] : memref<4x8x1x100096xf32, #tpu.memory_space<hbm>> -> memref<1x1x1x100096xf32, #tpu.memory_space<hbm>>
      %dma_start3A_145 = tpu.memref_squeeze %dma_start3A_144 : memref<1x1x1x100096xf32, #tpu.memory_space<hbm>> -> memref<1x100096xf32, #tpu.memory_space<hbm>>
      tpu.enqueue_dma source(%arg8 : memref<1x100096xf32, #tpu.memory_space<vmem>>) target(%dma_start3A_145 : memref<1x100096xf32, #tpu.memory_space<hbm>>) target_semaphore(%run_scoped3A : memref<!tpu.dma_semaphore, #tpu.memory_space<semaphore_mem>>)
      %dma_wait3A_146 = arith.constant 0 : i32
      %dma_wait3A_147 = arith.constant 0 : i32
      %dma_wait3A_148 = tpu.memref_slice %arg6[%select_n3A_30, %select_n3A_9, %dma_wait3A_146, %dma_wait3A_147] : memref<4x8x1x100096xf32, #tpu.memory_space<hbm>> -> memref<1x1x1x100096xf32, #tpu.memory_space<hbm>>
      %dma_wait3A_149 = tpu.memref_squeeze %dma_wait3A_148 : memref<1x1x1x100096xf32, #tpu.memory_space<hbm>> -> memref<1x100096xf32, #tpu.memory_space<hbm>>
      %dma_wait3A_150 = arith.constant 0 : i32
      %dma_wait3A_151 = arith.constant 0 : i32
      %dma_wait3A_152 = tpu.memref_slice %arg6[%select_n3A_30, %select_n3A_9, %dma_wait3A_150, %dma_wait3A_151] : memref<4x8x1x100096xf32, #tpu.memory_space<hbm>> -> memref<1x1x1x100096xf32, #tpu.memory_space<hbm>>
      %dma_wait3A_153 = tpu.memref_squeeze %dma_wait3A_152 : memref<1x1x1x100096xf32, #tpu.memory_space<hbm>> -> memref<1x100096xf32, #tpu.memory_space<hbm>>
      tpu.wait_dma2 semaphore(%run_scoped3A : memref<!tpu.dma_semaphore, #tpu.memory_space<semaphore_mem>>) src(%arg8 : memref<1x100096xf32, #tpu.memory_space<vmem>>) dst(%dma_wait3A_153 : memref<1x100096xf32, #tpu.memory_space<hbm>>)
      tpu.yield
    }) : () -> ()
    return
  }
}

#map = affine_map<(d0, d1) -> (0)>
#map1 = affine_map<(d0, d1) -> (0, 0)>
#map2 = affine_map<(d0, d1) -> (0, 0, 0)>
module attributes {stable_mosaic.version = 14 : i64} {
  func.func @k(%arg0: i32, %arg1: i32, %arg2: memref<3200000xi32, #tpu.memory_space<hbm>>, %arg3: memref<1x100096xf32, #tpu.memory_space<hbm>>, %arg4: memref<32x1x100096xf32, #tpu.memory_space<hbm>>, %arg5: memref<1x100096xf32, #tpu.memory_space<vmem>>, %arg6: memref<4000xi32, #tpu.memory_space<vmem>>, %arg7: memref<4000xi32, #tpu.memory_space<vmem>>, %arg8: memref<!tpu.dma_semaphore, #tpu.memory_space<semaphore_mem>>, %arg9: memref<!tpu.dma_semaphore, #tpu.memory_space<semaphore_mem>>) attributes {dimension_semantics = [#tpu.dimension_semantics<core_parallel>, #tpu.dimension_semantics<subcore_parallel>], iteration_bounds = array<i64: 2, 16>, scalar_prefetch = 0 : i64, scratch_operands = 5 : i64, tpu.core_type = #tpu.core_type<sc_vector_subcore>, window_params = [{transform_indices = #map}, {transform_indices = #map1}, {transform_indices = #map2}]} {
    %mul3A = arith.constant 2 : i32
    %mul3A_0 = arith.muli %arg1, %mul3A : i32
    %add3A = arith.addi %mul3A_0, %arg0 : i32
    "tpu.region"() ({
      %run_scoped3A = tpu.sem_alloc : memref<!tpu.dma_semaphore, #tpu.memory_space<semaphore_mem>>
      tpu.enqueue_dma source(%arg3 : memref<1x100096xf32, #tpu.memory_space<hbm>>) target(%arg5 : memref<1x100096xf32, #tpu.memory_space<vmem>>) target_semaphore(%run_scoped3A : memref<!tpu.dma_semaphore, #tpu.memory_space<semaphore_mem>>)
      tpu.wait_dma2 semaphore(%run_scoped3A : memref<!tpu.dma_semaphore, #tpu.memory_space<semaphore_mem>>) src(%arg3 : memref<1x100096xf32, #tpu.memory_space<hbm>>) dst(%arg5 : memref<1x100096xf32, #tpu.memory_space<vmem>>)
      tpu.yield
    }) : () -> ()
    %broadcast_in_dim3A = arith.constant 0 : i32
    %broadcast_in_dim3A_1 = vector.broadcast %broadcast_in_dim3A : i32 to vector<16xi32>
    %broadcast_in_dim3A_2 = arith.constant 1.000000e+00 : f32
    %broadcast_in_dim3A_3 = vector.broadcast %broadcast_in_dim3A_2 : f32 to vector<16xf32>
    %mul3A_4 = arith.constant 100000 : i32
    %mul3A_5 = arith.muli %add3A, %mul3A_4 : i32
    %min3A = arith.constant 0 : i32
    %min3A_6 = arith.constant 24 : i32
    %min3A_7 = arith.minsi %min3A, %min3A_6 : i32
    %mul3A_8 = arith.constant 4000 : i32
    %mul3A_9 = arith.muli %min3A_7, %mul3A_8 : i32
    %add3A_10 = arith.addi %mul3A_5, %mul3A_9 : i32
    %dma_start3A = tpu.memref_slice %arg2[%add3A_10] : memref<3200000xi32, #tpu.memory_space<hbm>> -> memref<4000xi32, #tpu.memory_space<hbm>>
    %dma_start3A_11 = tpu.memref_slice %arg2[%add3A_10] : memref<3200000xi32, #tpu.memory_space<hbm>> -> memref<4000xi32, #tpu.memory_space<hbm>>
    tpu.enqueue_dma source(%dma_start3A_11 : memref<4000xi32, #tpu.memory_space<hbm>>) target(%arg6 : memref<4000xi32, #tpu.memory_space<vmem>>) target_semaphore(%arg8 : memref<!tpu.dma_semaphore, #tpu.memory_space<semaphore_mem>>)
    %min3A_12 = arith.constant 1 : i32
    %min3A_13 = arith.constant 24 : i32
    %min3A_14 = arith.minsi %min3A_12, %min3A_13 : i32
    %mul3A_15 = arith.constant 4000 : i32
    %mul3A_16 = arith.muli %min3A_14, %mul3A_15 : i32
    %add3A_17 = arith.addi %mul3A_5, %mul3A_16 : i32
    %dma_start3A_18 = tpu.memref_slice %arg2[%add3A_17] : memref<3200000xi32, #tpu.memory_space<hbm>> -> memref<4000xi32, #tpu.memory_space<hbm>>
    %dma_start3A_19 = tpu.memref_slice %arg2[%add3A_17] : memref<3200000xi32, #tpu.memory_space<hbm>> -> memref<4000xi32, #tpu.memory_space<hbm>>
    tpu.enqueue_dma source(%dma_start3A_19 : memref<4000xi32, #tpu.memory_space<hbm>>) target(%arg7 : memref<4000xi32, #tpu.memory_space<vmem>>) target_semaphore(%arg9 : memref<!tpu.dma_semaphore, #tpu.memory_space<semaphore_mem>>)
    %scan3A = arith.constant 0 : i32
    %scan3A_20 = arith.constant 13 : i32
    %scan3A_21 = arith.addi %scan3A, %scan3A_20 : i32
    %scan3A_22 = arith.constant 1 : i32
    scf.for %scan3A_31 = %scan3A to %scan3A_21 step %scan3A_22  : i32 {
      %mul3A_32 = arith.constant 2 : i32
      %mul3A_33 = arith.muli %scan3A_31, %mul3A_32 : i32
      %add3A_34 = arith.constant 0 : i32
      %add3A_35 = arith.addi %add3A_34, %mul3A_33 : i32
      %dma_wait3A_36 = arith.constant 0 : i32
      %dma_wait3A_37 = tpu.memref_slice %arg2[%dma_wait3A_36] : memref<3200000xi32, #tpu.memory_space<hbm>> -> memref<4000xi32, #tpu.memory_space<hbm>>
      %dma_wait3A_38 = arith.constant 0 : i32
      %dma_wait3A_39 = tpu.memref_slice %arg2[%dma_wait3A_38] : memref<3200000xi32, #tpu.memory_space<hbm>> -> memref<4000xi32, #tpu.memory_space<hbm>>
      tpu.wait_dma2 semaphore(%arg8 : memref<!tpu.dma_semaphore, #tpu.memory_space<semaphore_mem>>) src(%dma_wait3A_39 : memref<4000xi32, #tpu.memory_space<hbm>>) dst(%arg6 : memref<4000xi32, #tpu.memory_space<vmem>>)
      %parallel_loop3A = arith.constant 0 : i32
      %parallel_loop3A_40 = arith.constant 4000 : i32
      %parallel_loop3A_41 = arith.constant 16 : i32
      scf.for %parallel_loop3A_55 = %parallel_loop3A to %parallel_loop3A_40 step %parallel_loop3A_41  : i32 {
        %parallel_loop3A_56 = arith.index_cast %parallel_loop3A_55 : i32 to index
        %parallel_loop3A_57 = tpu.vector_load %arg6[%parallel_loop3A_56] {strides = array<i32>} : memref<4000xi32, #tpu.memory_space<vmem>>, vector<16xi32>,
        tpu.vector_store_idx %arg5[%broadcast_in_dim3A_1, %parallel_loop3A_57], %broadcast_in_dim3A_3 {add = true} : memref<1x100096xf32, #tpu.memory_space<vmem>>[vector<16xi32>, vector<16xi32>], vector<16xf32>,
      } {sc.loop_unroll_factor = 10 : i64, sc.parallel_access}
      %add3A_42 = arith.constant 2 : i32
      %add3A_43 = arith.addi %add3A_35, %add3A_42 : i32
      %min3A_44 = arith.constant 24 : i32
      %min3A_45 = arith.minsi %add3A_43, %min3A_44 : i32
      %mul3A_46 = arith.constant 4000 : i32
      %mul3A_47 = arith.muli %min3A_45, %mul3A_46 : i32
      %add3A_48 = arith.addi %mul3A_5, %mul3A_47 : i32
      %dma_start3A_49 = tpu.memref_slice %arg2[%add3A_48] : memref<3200000xi32, #tpu.memory_space<hbm>> -> memref<4000xi32, #tpu.memory_space<hbm>>
      %dma_start3A_50 = tpu.memref_slice %arg2[%add3A_48] : memref<3200000xi32, #tpu.memory_space<hbm>> -> memref<4000xi32, #tpu.memory_space<hbm>>
      tpu.enqueue_dma source(%dma_start3A_50 : memref<4000xi32, #tpu.memory_space<hbm>>) target(%arg6 : memref<4000xi32, #tpu.memory_space<vmem>>) target_semaphore(%arg8 : memref<!tpu.dma_semaphore, #tpu.memory_space<semaphore_mem>>)
      %add3A_51 = arith.constant 1 : i32
      %add3A_52 = arith.addi %add3A_35, %add3A_51 : i32
      %lt3A = arith.constant 25 : i32
      %lt3A_53 = arith.cmpi slt, %add3A_52, %lt3A : i32
      %convert_element_type3A = arith.extui %lt3A_53 : i1 to i32
      %cond3A = arith.constant 0 : i32
      %cond3A_54 = arith.cmpi ne, %convert_element_type3A, %cond3A : i32
      scf.if %cond3A_54 {
        %dma_wait3A_55 = arith.constant 0 : i32
        %dma_wait3A_56 = tpu.memref_slice %arg2[%dma_wait3A_55] : memref<3200000xi32, #tpu.memory_space<hbm>> -> memref<4000xi32, #tpu.memory_space<hbm>>
        %dma_wait3A_57 = arith.constant 0 : i32
        %dma_wait3A_58 = tpu.memref_slice %arg2[%dma_wait3A_57] : memref<3200000xi32, #tpu.memory_space<hbm>> -> memref<4000xi32, #tpu.memory_space<hbm>>
        tpu.wait_dma2 semaphore(%arg9 : memref<!tpu.dma_semaphore, #tpu.memory_space<semaphore_mem>>) src(%dma_wait3A_58 : memref<4000xi32, #tpu.memory_space<hbm>>) dst(%arg7 : memref<4000xi32, #tpu.memory_space<vmem>>)
        %parallel_loop3A_59 = arith.constant 0 : i32
        %parallel_loop3A_60 = arith.constant 4000 : i32
        %parallel_loop3A_61 = arith.constant 16 : i32
        scf.for %parallel_loop3A_71 = %parallel_loop3A_59 to %parallel_loop3A_60 step %parallel_loop3A_61  : i32 {
          %parallel_loop3A_72 = arith.index_cast %parallel_loop3A_71 : i32 to index
          %parallel_loop3A_73 = tpu.vector_load %arg7[%parallel_loop3A_72] {strides = array<i32>} : memref<4000xi32, #tpu.memory_space<vmem>>, vector<16xi32>,
          tpu.vector_store_idx %arg5[%broadcast_in_dim3A_1, %parallel_loop3A_73], %broadcast_in_dim3A_3 {add = true} : memref<1x100096xf32, #tpu.memory_space<vmem>>[vector<16xi32>, vector<16xi32>], vector<16xf32>,
        } {sc.loop_unroll_factor = 10 : i64, sc.parallel_access}
        %add3A_62 = arith.constant 3 : i32
        %add3A_63 = arith.addi %add3A_35, %add3A_62 : i32
        %min3A_64 = arith.constant 24 : i32
        %min3A_65 = arith.minsi %add3A_63, %min3A_64 : i32
        %mul3A_66 = arith.constant 4000 : i32
        %mul3A_67 = arith.muli %min3A_65, %mul3A_66 : i32
        %add3A_68 = arith.addi %mul3A_5, %mul3A_67 : i32
        %dma_start3A_69 = tpu.memref_slice %arg2[%add3A_68] : memref<3200000xi32, #tpu.memory_space<hbm>> -> memref<4000xi32, #tpu.memory_space<hbm>>
        %dma_start3A_70 = tpu.memref_slice %arg2[%add3A_68] : memref<3200000xi32, #tpu.memory_space<hbm>> -> memref<4000xi32, #tpu.memory_space<hbm>>
        tpu.enqueue_dma source(%dma_start3A_70 : memref<4000xi32, #tpu.memory_space<hbm>>) target(%arg7 : memref<4000xi32, #tpu.memory_space<vmem>>) target_semaphore(%arg9 : memref<!tpu.dma_semaphore, #tpu.memory_space<semaphore_mem>>)
      } else {
      }
    }
    %scan3A_23 = arith.constant 13 : i32
    %dma_wait3A = arith.constant 0 : i32
    %dma_wait3A_24 = tpu.memref_slice %arg2[%dma_wait3A] : memref<3200000xi32, #tpu.memory_space<hbm>> -> memref<4000xi32, #tpu.memory_space<hbm>>
    %dma_wait3A_25 = arith.constant 0 : i32
    %dma_wait3A_26 = tpu.memref_slice %arg2[%dma_wait3A_25] : memref<3200000xi32, #tpu.memory_space<hbm>> -> memref<4000xi32, #tpu.memory_space<hbm>>
    tpu.wait_dma2 semaphore(%arg8 : memref<!tpu.dma_semaphore, #tpu.memory_space<semaphore_mem>>) src(%dma_wait3A_26 : memref<4000xi32, #tpu.memory_space<hbm>>) dst(%arg6 : memref<4000xi32, #tpu.memory_space<vmem>>)
    %dma_wait3A_27 = arith.constant 0 : i32
    %dma_wait3A_28 = tpu.memref_slice %arg2[%dma_wait3A_27] : memref<3200000xi32, #tpu.memory_space<hbm>> -> memref<4000xi32, #tpu.memory_space<hbm>>
    %dma_wait3A_29 = arith.constant 0 : i32
    %dma_wait3A_30 = tpu.memref_slice %arg2[%dma_wait3A_29] : memref<3200000xi32, #tpu.memory_space<hbm>> -> memref<4000xi32, #tpu.memory_space<hbm>>
    tpu.wait_dma2 semaphore(%arg9 : memref<!tpu.dma_semaphore, #tpu.memory_space<semaphore_mem>>) src(%dma_wait3A_30 : memref<4000xi32, #tpu.memory_space<hbm>>) dst(%arg7 : memref<4000xi32, #tpu.memory_space<vmem>>)
    "tpu.region"() ({
      %run_scoped3A = tpu.sem_alloc : memref<!tpu.dma_semaphore, #tpu.memory_space<semaphore_mem>>
      %dma_start3A_31 = arith.constant 0 : i32
      %dma_start3A_32 = arith.constant 0 : i32
      %dma_start3A_33 = tpu.memref_slice %arg4[%add3A, %dma_start3A_31, %dma_start3A_32] : memref<32x1x100096xf32, #tpu.memory_space<hbm>> -> memref<1x1x100096xf32, #tpu.memory_space<hbm>>
      %dma_start3A_34 = tpu.memref_squeeze %dma_start3A_33 : memref<1x1x100096xf32, #tpu.memory_space<hbm>> -> memref<1x100096xf32, #tpu.memory_space<hbm>>
      %dma_start3A_35 = arith.constant 0 : i32
      %dma_start3A_36 = arith.constant 0 : i32
      %dma_start3A_37 = tpu.memref_slice %arg4[%add3A, %dma_start3A_35, %dma_start3A_36] : memref<32x1x100096xf32, #tpu.memory_space<hbm>> -> memref<1x1x100096xf32, #tpu.memory_space<hbm>>
      %dma_start3A_38 = tpu.memref_squeeze %dma_start3A_37 : memref<1x1x100096xf32, #tpu.memory_space<hbm>> -> memref<1x100096xf32, #tpu.memory_space<hbm>>
      tpu.enqueue_dma source(%arg5 : memref<1x100096xf32, #tpu.memory_space<vmem>>) target(%dma_start3A_38 : memref<1x100096xf32, #tpu.memory_space<hbm>>) target_semaphore(%run_scoped3A : memref<!tpu.dma_semaphore, #tpu.memory_space<semaphore_mem>>)
      %dma_wait3A_39 = arith.constant 0 : i32
      %dma_wait3A_40 = arith.constant 0 : i32
      %dma_wait3A_41 = tpu.memref_slice %arg4[%add3A, %dma_wait3A_39, %dma_wait3A_40] : memref<32x1x100096xf32, #tpu.memory_space<hbm>> -> memref<1x1x100096xf32, #tpu.memory_space<hbm>>
      %dma_wait3A_42 = tpu.memref_squeeze %dma_wait3A_41 : memref<1x1x100096xf32, #tpu.memory_space<hbm>> -> memref<1x100096xf32, #tpu.memory_space<hbm>>
      %dma_wait3A_43 = arith.constant 0 : i32
      %dma_wait3A_44 = arith.constant 0 : i32
      %dma_wait3A_45 = tpu.memref_slice %arg4[%add3A, %dma_wait3A_43, %dma_wait3A_44] : memref<32x1x100096xf32, #tpu.memory_space<hbm>> -> memref<1x1x100096xf32, #tpu.memory_space<hbm>>
      %dma_wait3A_46 = tpu.memref_squeeze %dma_wait3A_45 : memref<1x1x100096xf32, #tpu.memory_space<hbm>> -> memref<1x100096xf32, #tpu.memory_space<hbm>>
      tpu.wait_dma2 semaphore(%run_scoped3A : memref<!tpu.dma_semaphore, #tpu.memory_space<semaphore_mem>>) src(%arg5 : memref<1x100096xf32, #tpu.memory_space<vmem>>) dst(%dma_wait3A_46 : memref<1x100096xf32, #tpu.memory_space<hbm>>)
      tpu.yield
    }) : () -> ()
    return
  }
}

module attributes {stable_mosaic.version = 14 : i64} {
  func.func @body(%arg0: i32, %arg1: memref<32x1x4352xf32, #tpu.memory_space<vmem>>, %arg2: memref<16x4352xf32, #tpu.memory_space<vmem>>, %arg3: memref<8x16xf32, #tpu.memory_space<vmem>>, %arg4: memref<8x1x4352xf32, #tpu.memory_space<vmem>>) attributes {dimension_semantics = [#tpu.dimension_semantics<arbitrary>], iteration_bounds = array<i64: 23>, scalar_prefetch = 0 : i64, scratch_operands = 0 : i64, tpu.core_type = #tpu.core_type<tc>, window_params = [{transform_indices = @transform_0, window_bounds = array<i64: 32, 1, 4352>}, {transform_indices = @transform_1, window_bounds = array<i64: 16, 4352>}, {pipeline_mode = #tpu.pipeline_mode<synchronous>, transform_indices = @transform_2, window_bounds = array<i64: 8, 16>}, {transform_indices = @transform_3, window_bounds = array<i64: 8, 1, 4352>}]} {
    %get3A = arith.constant 0 : index
    %get3A_0 = arith.constant 0 : index
    %get3A_1 = arith.constant 0 : index
    %get3A_2 = vector.load %arg1[%get3A, %get3A_0, %get3A_1] : memref<32x1x4352xf32, #tpu.memory_space<vmem>>, vector<32x1x4352xf32>
    %reduce_sum3A = arith.constant dense<0.000000e+00> : vector<4352xf32>
    %reduce_sum3A_3 = vector.multi_reduction <add>, %get3A_2, %reduce_sum3A [0, 1] : vector<32x1x4352xf32> to vector<4352xf32>
    %add3A = arith.constant 1.000000e+00 : f32
    %add3A_4 = vector.broadcast %add3A : f32 to vector<4352xf32>
    %add3A_5 = arith.addf %reduce_sum3A_3, %add3A_4 : vector<4352xf32>
    %rsqrt3A = math.rsqrt %add3A_5 : vector<4352xf32>
    %get3A_6 = arith.constant 0 : index
    %get3A_7 = arith.constant 0 : index
    %get3A_8 = vector.load %arg3[%get3A_6, %get3A_7] : memref<8x16xf32, #tpu.memory_space<vmem>>, vector<8x16xf32>
    %get3A_9 = arith.constant 0 : index
    %get3A_10 = arith.constant 0 : index
    %get3A_11 = vector.load %arg2[%get3A_9, %get3A_10] : memref<16x4352xf32, #tpu.memory_space<vmem>>, vector<16x4352xf32>
    %dot_general3A = arith.constant dense<0.000000e+00> : vector<8x4352xf32>
    %dot_general3A_12 = tpu.matmul %get3A_8, %get3A_11, %dot_general3A {dimension_numbers = #tpu.dot_dimension_numbers<[1], [0], [0], [1], [0, 0, 1, 1], [], []>, transpose_lhs_hint = false} : vector<8x16xf32>, vector<16x4352xf32>, vector<8x4352xf32> -> vector<8x4352xf32>
    %broadcast_in_dim3A = vector.shape_cast %rsqrt3A : vector<4352xf32> to vector<1x4352xf32>
    %mul3A = vector.broadcast %broadcast_in_dim3A : vector<1x4352xf32> to vector<8x4352xf32>
    %mul3A_13 = arith.mulf %dot_general3A_12, %mul3A : vector<8x4352xf32>
    %reshape3A = vector.shape_cast %mul3A_13 : vector<8x4352xf32> to vector<8x1x4352xf32>
    %swap3A = arith.constant 0 : index
    %swap3A_14 = arith.constant 0 : index
    %swap3A_15 = arith.constant 0 : index
    %swap3A_16 = vector.load %arg4[%swap3A, %swap3A_14, %swap3A_15] : memref<8x1x4352xf32, #tpu.memory_space<vmem>>, vector<8x1x4352xf32>
    tpu.vector_store %arg4[%swap3A, %swap3A_14, %swap3A_15], %reshape3A {strides = array<i32>} : memref<8x1x4352xf32, #tpu.memory_space<vmem>>, vector<8x1x4352xf32>,
    return
  }
  func.func @transform_0(%arg0: i32) -> (i32, i32, i32) {
    %c0_i32 = arith.constant 0 : i32
    %c0_i32_0 = arith.constant 0 : i32
    %c0_i32_1 = arith.constant 0 : i32
    return %c0_i32, %c0_i32_0, %arg0 : i32, i32, i32
  }
  func.func @transform_1(%arg0: i32) -> (i32, i32) {
    %c0_i32 = arith.constant 0 : i32
    %c0_i32_0 = arith.constant 0 : i32
    return %c0_i32, %arg0 : i32, i32
  }
  func.func @transform_2(%arg0: i32) -> (i32, i32) {
    %c0_i32 = arith.constant 0 : i32
    %c0_i32_0 = arith.constant 0 : i32
    %c0_i32_1 = arith.constant 0 : i32
    return %c0_i32, %c0_i32_0 : i32, i32
  }
  func.func @transform_3(%arg0: i32) -> (i32, i32, i32) {
    %c0_i32 = arith.constant 0 : i32
    %c0_i32_0 = arith.constant 0 : i32
    %c0_i32_1 = arith.constant 0 : i32
    return %c0_i32, %c0_i32_0, %arg0 : i32, i32, i32
  }
}

module attributes {stable_mosaic.version = 14 : i64} {
  func.func @body(%arg0: i32, %arg1: memref<4x8x1x4352xf32, #tpu.memory_space<vmem>>, %arg2: memref<8x1x4352xf32, #tpu.memory_space<vmem>>, %arg3: memref<32x1x4352xf32, #tpu.memory_space<vmem>>, %arg4: memref<8x1xf32, #tpu.memory_space<vmem>>, %arg5: memref<8x4352xf32, #tpu.memory_space<vmem>>) attributes {dimension_semantics = [#tpu.dimension_semantics<arbitrary>], iteration_bounds = array<i64: 23>, scalar_prefetch = 0 : i64, scratch_operands = 0 : i64, tpu.core_type = #tpu.core_type<tc>, window_params = [{transform_indices = @transform_0, window_bounds = array<i64: 4, 8, 1, 4352>}, {transform_indices = @transform_1, window_bounds = array<i64: 8, 1, 4352>}, {transform_indices = @transform_2, window_bounds = array<i64: 32, 1, 4352>}, {pipeline_mode = #tpu.pipeline_mode<synchronous>, transform_indices = @transform_3, window_bounds = array<i64: 8, 1>}, {transform_indices = @transform_4, window_bounds = array<i64: 8, 4352>}]} {
    %get3A = arith.constant 0 : index
    %get3A_0 = arith.constant 0 : index
    %get3A_1 = arith.constant 0 : index
    %get3A_2 = vector.load %arg3[%get3A, %get3A_0, %get3A_1] : memref<32x1x4352xf32, #tpu.memory_space<vmem>>, vector<32x1x4352xf32>
    %reduce_sum3A = arith.constant dense<0.000000e+00> : vector<4352xf32>
    %reduce_sum3A_3 = vector.multi_reduction <add>, %get3A_2, %reduce_sum3A [0, 1] : vector<32x1x4352xf32> to vector<4352xf32>
    %add3A = arith.constant 1.000000e+00 : f32
    %add3A_4 = vector.broadcast %add3A : f32 to vector<4352xf32>
    %add3A_5 = arith.addf %reduce_sum3A_3, %add3A_4 : vector<4352xf32>
    %rsqrt3A = math.rsqrt %add3A_5 : vector<4352xf32>
    %get3A_6 = arith.constant 0 : index
    %get3A_7 = arith.constant 0 : index
    %get3A_8 = arith.constant 0 : index
    %get3A_9 = arith.constant 0 : index
    %get3A_10 = vector.load %arg1[%get3A_6, %get3A_7, %get3A_8, %get3A_9] : memref<4x8x1x4352xf32, #tpu.memory_space<vmem>>, vector<4x8x1x4352xf32>
    %reduce_sum3A_11 = arith.constant dense<0.000000e+00> : vector<8x4352xf32>
    %reduce_sum3A_12 = vector.multi_reduction <add>, %get3A_10, %reduce_sum3A_11 [0, 2] : vector<4x8x1x4352xf32> to vector<8x4352xf32>
    %get3A_13 = arith.constant 0 : index
    %get3A_14 = arith.constant 0 : index
    %get3A_15 = arith.constant 0 : index
    %get3A_16 = vector.load %arg2[%get3A_13, %get3A_14, %get3A_15] : memref<8x1x4352xf32, #tpu.memory_space<vmem>>, vector<8x1x4352xf32>
    %get3A_17 = vector.shape_cast %get3A_16 : vector<8x1x4352xf32> to vector<8x4352xf32>
    %add3A_18 = arith.addf %reduce_sum3A_12, %get3A_17 : vector<8x4352xf32>
    %broadcast_in_dim3A = vector.shape_cast %rsqrt3A : vector<4352xf32> to vector<1x4352xf32>
    %mul3A = vector.broadcast %broadcast_in_dim3A : vector<1x4352xf32> to vector<8x4352xf32>
    %mul3A_19 = arith.mulf %add3A_18, %mul3A : vector<8x4352xf32>
    %get3A_20 = arith.constant 0 : index
    %get3A_21 = arith.constant 0 : index
    %get3A_22 = vector.load %arg4[%get3A_20, %get3A_21] : memref<8x1xf32, #tpu.memory_space<vmem>>, vector<8x1xf32>
    %add3A_23 = vector.broadcast %get3A_22 : vector<8x1xf32> to vector<8x4352xf32>
    %add3A_24 = arith.addf %mul3A_19, %add3A_23 : vector<8x4352xf32>
    %swap3A = arith.constant 0 : index
    %swap3A_25 = arith.constant 0 : index
    %swap3A_26 = vector.load %arg5[%swap3A, %swap3A_25] : memref<8x4352xf32, #tpu.memory_space<vmem>>, vector<8x4352xf32>
    tpu.vector_store %arg5[%swap3A, %swap3A_25], %add3A_24 {strides = array<i32>} : memref<8x4352xf32, #tpu.memory_space<vmem>>, vector<8x4352xf32>,
    return
  }
  func.func @transform_0(%arg0: i32) -> (i32, i32, i32, i32) {
    %c0_i32 = arith.constant 0 : i32
    %c0_i32_0 = arith.constant 0 : i32
    %c0_i32_1 = arith.constant 0 : i32
    %c0_i32_2 = arith.constant 0 : i32
    return %c0_i32, %c0_i32_0, %c0_i32_1, %arg0 : i32, i32, i32, i32
  }
  func.func @transform_1(%arg0: i32) -> (i32, i32, i32) {
    %c0_i32 = arith.constant 0 : i32
    %c0_i32_0 = arith.constant 0 : i32
    %c0_i32_1 = arith.constant 0 : i32
    return %c0_i32, %c0_i32_0, %arg0 : i32, i32, i32
  }
  func.func @transform_2(%arg0: i32) -> (i32, i32, i32) {
    %c0_i32 = arith.constant 0 : i32
    %c0_i32_0 = arith.constant 0 : i32
    %c0_i32_1 = arith.constant 0 : i32
    return %c0_i32, %c0_i32_0, %arg0 : i32, i32, i32
  }
  func.func @transform_3(%arg0: i32) -> (i32, i32) {
    %c0_i32 = arith.constant 0 : i32
    %c0_i32_0 = arith.constant 0 : i32
    %c0_i32_1 = arith.constant 0 : i32
    return %c0_i32, %c0_i32_0 : i32, i32
  }
  func.func @transform_4(%arg0: i32) -> (i32, i32) {
    %c0_i32 = arith.constant 0 : i32
    %c0_i32_0 = arith.constant 0 : i32
    return %c0_i32, %arg0 : i32, i32
  }
}

</mosaic_0001>

<sc_bundles>
// kernel: kernel.6.cloned.1.call-start
scs
__scs_entry_jumppad:
0x0: {  	(pc) =	sbr.rel $0x88, $3  }
0x1: {  	(tag) =	ssettag $0x0;
	lr =	simm.s32 $0x1  }
0x2: {  	[smem:$0x3F9D] =	sst lr;
	_ =	strace $0xD0000000  }
0x3: {  	_ = 	snop  }
0x4: {  	_ = 	snop  }
0x5: {  	_ = 	snop  }
0x6: {  	_ = 	snop  }
0x7: {  	_ = 	snop  }
__scs_overlays_trampoline_lowered:
0x8: {  	[smem:$0x3FAC] =	sst s0  }
0x9: {  	[smem:$0x3FAD] =	sst s1  }
0xa: {  	[smem:$0x3FAE] =	sst s2  }
0xb: {  	[smem:$0x3FAF] =	sst s3  }
0xc: {  	[smem:$0x3FB0] =	sst s4  }
0xd: {  	[smem:$0x3FB1] =	sst s5  }
0xe: {  	[smem:$0x3FB2] =	sst s6  }
0xf: {  	[smem:$0x3FB3] =	sst s7  }
0x10: {  	[smem:$0x3FB4] =	sst s8  }
0x11: {  	[smem:$0x3FB5] =	sst s9;
	s0 =	simm.s32 @!p0 $0x0  }
0x12: {  	s1 =	sld [smem:$0x3F9B];
	s0 =	simm.s32 @p0 $0x1  }
0x13: {  	[smem:$0x3FB6] =	sst s0;
	s0 =	simm.s32 @!p1 $0x0  }
0x14: {  	s2 =	sld [smem:$0x3F9A];
	s0 =	simm.s32 @p1 $0x1  }
0x15: {  	[smem:$0x3FB7] =	sst s0;
	s0 =	simm.s32 @!p2 $0x0  }
0x16: {  	s3 =	sld [smem:$0x3FDB];
	s0 =	simm.s32 @p2 $0x1  }
0x17: {  	s4 =	simm.s32 $0x1BF5;
	[smem:$0x3FB9] =	sst s0  }
0x18: {  	s0 =	sld [smem:$0x3F9C];
	_ =	swait.ge [sflag:s4], $0x0  }
0x19: {  	s7 =	sld [smem:$0x3F9D]  }
0x1a: {  	s8 =	sadd.s32 $0xFFFFE003, lr  }
0x1b: {  	s9 =	sadd.s32 $0xFFFFFEF7, lr;
	s5 =	simm.s32 $0xFFFFFFFF;
	p2 =	slt.u32 s8, $0xFFFFF086  }
0x1c: {  	p1 =	slt.u32 s9, $0xF7A;
	s5 =	simm.s32 @!p2 $0x0  }
0x1d: {  	s5 =	simm.s32 @p1 $0x1;
	p0 =	seq.s32 s7, s2  }
0x1e: {  	s7 =	smul.u32 @!p0 $0xF7A, s2;
	p2 =	seq.s32 @!p0 s5, $0x0  }
0x1f: {  	s9 =	smul.u32 $0xF7A, s1;
	s8 =	simm.s32 @!p0 $0x1BF5;
	p2 =	por !p2, p0  }
0x20: {  	[sflag:s8] =	ssyncset.s32 @!p0 $0xFFFFF086;
	s6 =	sadd.s32 @!p0 s3, s7;
	s7 =	simm.s32 @!p0 $0x108  }
0x21: {  	s3 =	sadd.s32 s3, s9;
	s6 =	sadd.s32 @!p0 $0x88, s6;
	s7 =	simm.s32 @p2 $0x1082  }
0x22: {  	[simem:s7], [sflag:s8] =	dma.local @!p0 [hbm:s6], $0xF7A  }
0x23: {  	s9 =	sor.u32 $0xD0000000, s2;
	s6 =	simm.s32 $0x108;
	_ =	swait.ge @!p0 [sflag:s8], $0x0  }
0x24: {  	s3 =	sadd.s32 $0x88, s3;
	s6 =	simm.s32 @!p1 $0x1082;
	[sflag:s4] =	ssyncset.s32 $0xFFFFF086  }
0x25: {  	[simem:s6], [sflag:s4] =	dma.local [hbm:s3], $0xF7A  }
0x26: {  	[smem:$0x3F9D] =	sst s1;
	(tag) =	ssettag s2;
	_ =	strace s9  }
0x27: {  	s1 =	sld [smem:$0x3FAD]  }
0x28: {  	s2 =	sld [smem:$0x3FAE]  }
0x29: {  	s4 =	sld [smem:$0x3FB0]  }
0x2a: {  	p0 =	seq.s32 s5, $0x0;
	s5 =	sld [smem:$0x3FB1]  }
0x2b: {  	s6 =	sld [smem:$0x3FB2]  }
0x2c: {  	s7 =	sld [smem:$0x3FB3]  }
0x2d: {  	s3 =	simm.s32 $0x108;
	s8 =	sld [smem:$0x3FB4]  }
0x2e: {  	s3 =	simm.s32 @!p0 $0x1082;
	s9 =	sld [smem:$0x3FB5]  }
0x2f: {  	lr =	sadd.s32 s0, s3;
	s0 =	sld [smem:$0x3FAC]  }
0x30: {  	s3 =	sld [smem:$0x3FAF]  }
0x31: {  	[smem:$0x3FB8] =	sst s10  }
0x32: {  	s10 =	sld [smem:$0x3FB6];
	_ =	sdelay $0x3  }
0x33: {  	p0 =	seq.s32 s10, $0x1;
	s10 =	sld [smem:$0x3FB8];
	_ =	sdelay $0x3  }
0x34: {  	[smem:$0x3FB8] =	sst s10  }
0x35: {  	s10 =	sld [smem:$0x3FB7];
	_ =	sdelay $0x3  }
0x36: {  	p1 =	seq.s32 s10, $0x1;
	s10 =	sld [smem:$0x3FB8];
	_ =	sdelay $0x3  }
0x37: {  	[smem:$0x3FB8] =	sst s10  }
0x38: {  	s10 =	sld [smem:$0x3FB9]  }
0x39: {  	_ = 	snop;
	(pc) =	sbr.ind lr, $3  }
0x3a: {  	_ = 	snop  }
0x3b: {  	_ = 	snop  }
0x3c: {  	p2 =	seq.s32 s10, $0x1;
	s10 =	sld [smem:$0x3FB8]  }
0x3d: {  	_ =	shalt  }
0x3e: {  	_ =	shalt  }
0x3f: {  	_ =	shalt  }
0x40: {  	_ =	shalt  }
0x41: {  	_ =	shalt  }
0x42: {  	_ =	shalt  }
0x43: {  	_ =	shalt  }
0x44: {  	_ =	shalt  }
0x45: {  	_ =	shalt  }
0x46: {  	_ =	shalt  }
0x47: {  	_ =	shalt  }
0x48: {  	_ =	shalt  }
0x49: {  	_ =	shalt  }
0x4a: {  	_ =	shalt  }
0x4b: {  	_ =	shalt  }
0x4c: {  	_ =	shalt  }
0x4d: {  	_ =	shalt  }
0x4e: {  	_ =	shalt  }
0x4f: {  	_ =	shalt  }
0x50: {  	_ =	shalt  }
0x51: {  	_ =	shalt  }
0x52: {  	_ =	shalt  }
0x53: {  	_ =	shalt  }
0x54: {  	_ =	shalt  }
0x55: {  	_ =	shalt  }
0x56: {  	_ =	shalt  }
0x57: {  	_ =	shalt  }
0x58: {  	_ =	shalt  }
0x59: {  	_ =	shalt  }
0x5a: {  	_ =	shalt  }
0x5b: {  	_ =	shalt  }
0x5c: {  	_ =	shalt  }
0x5d: {  	_ =	shalt  }
0x5e: {  	_ =	shalt  }
0x5f: {  	_ =	shalt  }
0x60: {  	_ =	shalt  }
0x61: {  	_ =	shalt  }
0x62: {  	_ =	shalt  }
0x63: {  	_ =	shalt  }
0x64: {  	_ =	shalt  }
0x65: {  	_ =	shalt  }
0x66: {  	_ =	shalt  }
0x67: {  	_ =	shalt  }
0x68: {  	_ =	shalt  }
0x69: {  	_ =	shalt  }
0x6a: {  	_ =	shalt  }
0x6b: {  	_ =	shalt  }
0x6c: {  	_ =	shalt  }
0x6d: {  	_ =	shalt  }
0x6e: {  	_ =	shalt  }
0x6f: {  	_ =	shalt  }
0x70: {  	_ =	shalt  }
0x71: {  	_ =	shalt  }
0x72: {  	_ =	shalt  }
0x73: {  	_ =	shalt  }
0x74: {  	_ =	shalt  }
0x75: {  	_ =	shalt  }
0x76: {  	_ =	shalt  }
0x77: {  	_ =	shalt  }
0x78: {  	_ =	shalt  }
0x79: {  	_ =	shalt  }
0x7a: {  	_ =	shalt  }
0x7b: {  	_ =	shalt  }
0x7c: {  	_ =	shalt  }
0x7d: {  	_ =	shalt  }
0x7e: {  	_ =	shalt  }
0x7f: {  	_ =	shalt  }
0x80: {  	_ =	shalt  }
0x81: {  	_ =	shalt  }
0x82: {  	_ =	shalt  }
0x83: {  	_ =	shalt  }
0x84: {  	_ =	shalt  }
0x85: {  	_ =	shalt  }
0x86: {  	_ =	shalt  }
0x87: {  	_ =	shalt  }
.Lfunc_end0:
.L_simem_size_0:
called_computation_lowered:
.L_overlay_start_0:
0x88: {  	s2 =	sld [smem:$0x3FD9]  }
0x89: {  	s3 =	sld [smem:$0x3FFE];
	_ =	sdelay $0x1  }
0x8a: {  	s1 =	srdreg.scid  }
0x8b: {  	s0 =	sand.u32 $0x1, s1  }
0x8c: {  	s16 =	sshll.u32 s0, $0xA;
	s2 =	sadd.s32 s3, s2  }
0x8d: {  	s2 =	sadd.s32 s2, s16  }
0x8e: {  	[smem:$0x3FC4] =	sst s2  }
0x8f: {  	_ = 	snop  }
0x90: {  	(tm) =	ssettm $0x1  }
0x91: {  	s17 =	sld [smem:$0x3FFB];
	_ =	sdelay $0x3  }
0x92: {  	_ =	strace s17  }
0x93: {  	s2 =	sld [smem:$0x3FFC];
	_ =	sdelay $0x3  }
0x94: {  	_ =	strace s2  }
0x95: {  	s2 =	sld [smem:$0x3FFD];
	_ =	sdelay $0x3  }
0x96: {  	_ =	strace s2  }
0x97: {  	_ =	strace $0x8FFFFFFF  }
0x98: {  	s18 =	sld [smem:$0x3FDB];
	_ =	sdelay $0x1  }
0x99: {  	s19 =	simm.s32 $_scs_section_size  }
0x9a: {  	s4 =	simm.s32 $_size__tile_overlayer_lowered;
	s5 =	simm.s32 $_tile_overlayer_lowered  }
0x9b: {  	s22 =	simm.s32 $0x1BFF;
	s21 =	sshll.u32 s5, $0x1;
	s2 =	sadd.s32 s19, s18  }
0x9c: {  	s6 =	simm.s32 $0x0;
	s20 =	sshll.u32 s4, $0x1;
	s4 =	sadd.s32 s21, s2  }
0x9d: {  	[timem:s6], [sflag:s22] =	dma.local [hbm:s4], s20  }
0x9e: {  	_ =	swait.ge [sflag:s22], s20  }
0x9f: {  	s3 =	ssub.s32 $0x0, s20;
	[sflag:s22] =	ssyncset.done $0x0  }
0xa0: {  	[sflag:s22] =	ssyncadd.s32 s3;
	_ =	sdelay $0x1  }
0xa1: {  	s23 =	simm.s32 $0x1B8B  }
0xa2: {  	_ =	swait.ge [sflag:s23], $0x1  }
0xa3: {  	[sflag:s23] =	ssyncset.done $0x0  }
0xa4: {  	s25 =	simm.s32 $0x1B8E;
	s24 =	sld [smem:$0x3FFE];
	[sflag:s23] =	ssyncadd.s32 $0xFFFFFFFF  }
0xa5: {  	s26 =	simm.s32 $execute0_lowered;
	[smem:$0x3FD2] =	sst s25  }
0xa6: {  	s4 =	sshll.u32 s26, $0x1;
	_ =	strace $0x80000046;
	[dreg:$0x1] =	wrdreg $0xFFFFFFFF  }
0xa7: {  	s28 =	simm.s32 $_size_execute0_lowered;
	s2 =	sadd.s32 s2, s4;
	[dreg:$0x0] =	wrdreg $0x0  }
0xa8: {  	s4 =	sshll.u32 s28, $0x1;
	[dreg:$0x2] =	wrdreg s2  }
0xa9: {  	[dreg:$0x3] =	wrdreg s4  }
0xaa: {  	[dreg:$0x4] =	wrdreg $0xC0  }
0xab: {  	_ =	task [dreg:s6], $0x5FFFF  }
0xac: {  	[dreg:$0x1] =	wrdreg $0xFFFFFFFF  }
0xad: {  	[dreg:$0x0] =	wrdreg $0x60  }
0xae: {  	[dreg:$0x2] =	wrdreg s24  }
0xaf: {  	[dreg:$0x3] =	wrdreg $0x9  }
0xb0: {  	_ =	task.clear_ibuf [dreg:s6], $0x4FFFF;
	_ =	strace $0x90000046  }
0xb1: {  	s29 =	simm.s32 $0x9;
	_ =	strace $0x80000048  }
0xb2: {  	_ =	swait.ge [sflag:s29], $0x1  }
0xb3: {  	[sflag:s29] =	ssyncadd.s32 $0xFFFFFFFF  }
0xb4: {  	_ =	strace $0x90000048  }
0xb5: {  	_ =	sfence  }
0xb6: {  	s30 =	sld [smem:$0x0];
	_ =	sdelay $0x2  }
0xb7: {  	s31 =	sshll.u32 s1, $0xD;
	s1 =	sshrl.u32 s1, $0x2  }
0xb8: {  	s3 =	sand.u32 $0x4000, s31;
	s1 =	sadd.s32 s1, s30  }
0xb9: {  	s0 =	sor.u32 s3, s0;
	s1 =	sshll.u32 s1, $0x11  }
0xba: {  	s0 =	sor.u32 s1, s0  }
0xbb: {  	s0 =	sadd.s32 $0x8F2B, s0  }
0xbc: {  	[sflag:s0] =	ssyncadd.remote.s32 $0x1  }
0xbd: {  	_ =	sfence.sel $0xFFFF  }
0xbe: {  	[dreg:$0x0] =	wrdreg $0xFFFFFFFF;
	(pc) =	sbr.abs _section_cstart, $3  }
0xbf: {  	[dreg:$0x1] =	wrdreg $0xFFFFFFFF  }
0xc0: {  	_ =	task.clear_ibuf [dreg:s6], $0x2FFFF;
	_ =	strace $0x9FFFFFFF  }
0xc1: {  	(tm) =	ssettm $0x7FFFFFFF  }
tec
execute0_lowered:
.L_overlay_start_1:
0x0: {  	(tag) =	ssettag $0x1  }
0x1: {  	s1 =	srdreg.scid;
	s0 =	stileid.u32  }
0x2: {  	s5 =	rddreg [dreg:$0x0];
	s2 =	simm.s32 $0x0;
	s12 =	simm.s32 $0x18700  }
0x3: {  	s13 =	simm.s32 $0x19700;
	s6 =	sand.u32 $0x1, s1;
	s3 =	sshll.u32 s0, $0x1  }
0x4: {  	s14 =	simm.s32 $0x1;
	s15 =	simm.s32 $0x2;
	s4 =	sor.u32 s6, s3  }
0x5: {  	s16 =	simm.s32 $0x0;
	s1 =	rddreg [dreg:$0x1];
	s8 =	smul.u32 $0x186A0, s4  }
0x6: {  	[smem:$0x7FF] =	sst s2;
	s6 =	ssub.s32 $0x2, s6;
	s7 =	smul.u32 $0x30E0, s4  }
.Ltmp0:
0x7: {  	_ =	strace $0x80000047;
	s31 =	sshrl.u32 s6, $0x1;
	(pc) =	sbr.rel .LBB2_1-.Ltmp0, $4  }
0x8: {  	s3 =	sadd.s32 $0x2200, s5;
	s4 =	sadd.s32 $0xC5A00, s5;
	s11 =	ssub.s32 s6, s31  }
0x9: {  	s9 =	sshrl.u32 s8, $0x3;
	s10 =	sadd.s32 s7, s5;
	s7 =	sadd.s32 $0x1F40, s8  }
0xa: {  	s8 =	sadd.s32 $0x2EE0, s8;
	s5 =	sadd.s32 s3, s9;
	s9 =	sadd.s32 $0xC8C00, s10  }
0xb: {  	v0 =	vimm.f32 $1.000000000e+00;
	s10 =	smax.u32 s11, $0x1;
	s11 =	simm.s32 $0x3;
	s6 =	sadd.s32 $0x1F4, s5  }
.LBB2_9:
0xc: {  	_ =	swait.ge [sflag:s14], $0xFA0  }
0xd: {  	[sflag:s14] =	ssyncset.done $0x0  }
0xe: {  	[sflag:s14] =	ssyncadd.s32 $0xFFFFF060  }
0xf: {  	s16 =	sadd.s32 $0x1, s16;
	_ =	swait.ge [sflag:s15], $0xFA0  }
0x10: {  	p0 =	sne.s32 s16, s10;
	[sflag:s15] =	ssyncset.done $0x0  }
.Ltmp1:
0x11: {  	[sflag:s15] =	ssyncadd.s32 $0xFFFFF060;
	(pc) =	sbr.rel @!p0 .LBB2_10-.Ltmp1, $4  }
0x12: {  	[hbm4b:s9+s2] =	stream.linear.scatter [tilespmem:s2], [sflag:$0x3], $0x18700, $0x38;
	[tilespmem:$0x1A700] =	vst v63  }
0x13: {  	_ =	swait.ge [sflag:s11], $0x18700  }
0x14: {  	[sflag:s11] =	ssyncset.done $0x0  }
0x15: {  	[sflag:s11] =	ssyncadd.s32 $0xFFFE7900  }
.LBB2_1:
0x16: {  	[tilespmem:s2], [sflag:$0x3] =	stream.linear.gather [hbm4b:s4+s2], $0x18700, $0x38;
	[tilespmem:$0x1A700] =	vst v63  }
0x17: {  	_ =	swait.ge [sflag:s11], $0x18700  }
.Ltmp2:
0x18: {  	[sflag:s11] =	ssyncset.done $0x0;
	(pc) =	sbr.rel .LBB2_2-.Ltmp2, $4  }
0x19: {  	[sflag:s11] =	ssyncadd.s32 $0xFFFE7900  }
0x1a: {  	[tilespmem:s12], [sflag:$0x1] =	stream.linear.gather [hbm4b:s5+s2], $0xFA0, $0x38;
	[tilespmem:$0x1A700] =	vst v63  }
0x1b: {  	s17 =	simm.s32 $0x0  }
0x1c: {  	[tilespmem:s13], [sflag:$0x2] =	stream.linear.gather [hbm4b:s6+s2], $0xFA0, $0x38;
	[tilespmem:$0x1A700] =	vst v63  }
.LBB2_8:
0x1d: {  	s17 =	sadd.s32 $0x1, s17  }
0x1e: {  	p0 =	sne.s32 s17, $0xD  }
.Ltmp3:
0x1f: {  	_ = 	snop;
	(pc) =	sbr.rel @!p0 .LBB2_9-.Ltmp3, $1  }
0x20: {  	_ =	sdelay $0x3  }
.LBB2_2:
0x21: {  	_ =	swait.ge [sflag:s14], $0xFA0  }
0x22: {  	s18 =	simm.s32 $0x0;
	[sflag:s14] =	ssyncset.done $0x0  }
0x23: {  	s19 =	simm.s32 $0xA0;
	s18 =	sand.u32 $0xFE0, s18;
	[sflag:s14] =	ssyncadd.s32 $0xFFFFF060  }
0x24: {  	s31 =	sand.u32 $0xFE0, s19;
	v2 =	vld [tilespmem:s18+$0x18780]  }
0x25: {  	v1 =	vld [tilespmem:s31+$0x18780];
	s18 =	simm.s32 $0x18750  }
0x26: {  	v3 =	vld [tilespmem:s18+$0x40]  }
0x27: {  	v4 =	vld [tilespmem:s18+$0xFFFFFFB0]  }
0x28: {  	v5 =	vld [tilespmem:s18+$0xFFFFFFC0]  }
0x29: {  	v6 =	vld [tilespmem:s18+$0xFFFFFFD0]  }
0x2a: {  	v7 =	vld [tilespmem:s18+$0xFFFFFFE0]  }
0x2b: {  	v8 =	vld [tilespmem:s18+$0xFFFFFFF0]  }
0x2c: {  	v9 =	vld [tilespmem:s18+$0x0]  }
0x2d: {  	[tilespmem:v2+s2+$0x0] =	vst.idx.add.f32.msk $0xffff, v0  }
0x2e: {  	v2 =	vld [tilespmem:s18+$0x10]  }
0x2f: {  	[tilespmem:v3+s2+$0x0] =	vst.idx.add.f32.msk $0xffff, v0  }
0x30: {  	v3 =	vld [tilespmem:s18+$0x20]  }
0x31: {  	[tilespmem:v4+s2+$0x0] =	vst.idx.add.f32.msk $0xffff, v0  }
0x32: {  	[tilespmem:v5+s2+$0x0] =	vst.idx.add.f32.msk $0xffff, v0  }
0x33: {  	[tilespmem:v6+s2+$0x0] =	vst.idx.add.f32.msk $0xffff, v0  }
0x34: {  	[tilespmem:v7+s2+$0x0] =	vst.idx.add.f32.msk $0xffff, v0  }
0x35: {  	[tilespmem:v8+s2+$0x0] =	vst.idx.add.f32.msk $0xffff, v0  }
0x36: {  	[tilespmem:v9+s2+$0x0] =	vst.idx.add.f32.msk $0xffff, v0  }
.LBB2_3:
0x37: {  	s19 =	sadd.s32 $0xA0, s19;
	[tilespmem:v2+s2+$0x0] =	vst.idx.add.f32.msk $0xffff, v0  }
0x38: {  	s20 =	sand.u32 $0xFE0, s19;
	[tilespmem:v3+s2+$0x0] =	vst.idx.add.f32.msk $0xffff, v0  }
0x39: {  	p0 =	slt.u32 s19, $0xF00;
	v2 =	vld [tilespmem:s20+$0x18780]  }
0x3a: {  	s18 =	sadd.s32 $0xA0, s18;
	[tilespmem:v1+s2+$0x0] =	vst.idx.add.f32.msk $0xffff, v0  }
0x3b: {  	v3 =	vld [tilespmem:s18+$0x40]  }
0x3c: {  	v4 =	vld [tilespmem:s18+$0xFFFFFFB0]  }
0x3d: {  	v5 =	vld [tilespmem:s18+$0xFFFFFFC0]  }
0x3e: {  	v6 =	vld [tilespmem:s18+$0xFFFFFFD0];
	v1 =	vmov v2  }
0x3f: {  	v7 =	vld [tilespmem:s18+$0xFFFFFFE0]  }
0x40: {  	v8 =	vld [tilespmem:s18+$0xFFFFFFF0]  }
0x41: {  	v9 =	vld [tilespmem:s18+$0x0]  }
0x42: {  	v2 =	vld [tilespmem:s18+$0x10]  }
0x43: {  	[tilespmem:v3+s2+$0x0] =	vst.idx.add.f32.msk $0xffff, v0  }
0x44: {  	v3 =	vld [tilespmem:s18+$0x20]  }
0x45: {  	[tilespmem:v4+s2+$0x0] =	vst.idx.add.f32.msk $0xffff, v0  }
.Ltmp4:
0x46: {  	[tilespmem:v5+s2+$0x0] =	vst.idx.add.f32.msk $0xffff, v0;
	(pc) =	sbr.rel @p0 .LBB2_3-.Ltmp4, $4  }
0x47: {  	[tilespmem:v6+s2+$0x0] =	vst.idx.add.f32.msk $0xffff, v0  }
0x48: {  	[tilespmem:v7+s2+$0x0] =	vst.idx.add.f32.msk $0xffff, v0  }
0x49: {  	[tilespmem:v8+s2+$0x0] =	vst.idx.add.f32.msk $0xffff, v0  }
0x4a: {  	[tilespmem:v9+s2+$0x0] =	vst.idx.add.f32.msk $0xffff, v0  }
0x4b: {  	_ =	sdelay $0x3  }
0x4c: {  	[tilespmem:v2+s2+$0x0] =	vst.idx.add.f32.msk $0xffff, v0  }
0x4d: {  	[tilespmem:v3+s2+$0x0] =	vst.idx.add.f32.msk $0xffff, v0  }
0x4e: {  	[tilespmem:v1+s2+$0x0] =	vst.idx.add.f32.msk $0xffff, v0;
	s18 =	sadd.s32 $0xA0, s18  }
0x4f: {  	v1 =	vld [tilespmem:s18+$0x40]  }
0x50: {  	v2 =	vld [tilespmem:s18+$0xFFFFFFB0]  }
0x51: {  	v3 =	vld [tilespmem:s18+$0xFFFFFFC0]  }
0x52: {  	v4 =	vld [tilespmem:s18+$0xFFFFFFD0]  }
0x53: {  	v5 =	vld [tilespmem:s18+$0xFFFFFFE0]  }
0x54: {  	v6 =	vld [tilespmem:s18+$0xFFFFFFF0]  }
0x55: {  	v7 =	vld [tilespmem:s18+$0x0]  }
0x56: {  	v8 =	vld [tilespmem:s18+$0x10]  }
0x57: {  	[tilespmem:v1+s2+$0x0] =	vst.idx.add.f32.msk $0xffff, v0  }
0x58: {  	v1 =	vld [tilespmem:s18+$0x20]  }
0x59: {  	[tilespmem:v2+s2+$0x0] =	vst.idx.add.f32.msk $0xffff, v0  }
0x5a: {  	[tilespmem:v3+s2+$0x0] =	vst.idx.add.f32.msk $0xffff, v0;
	s18 =	sshll.u32 s17, $0x1  }
0x5b: {  	[tilespmem:v4+s2+$0x0] =	vst.idx.add.f32.msk $0xffff, v0;
	s19 =	smin.u32 s18, $0x16  }
0x5c: {  	p0 =	sgt.u32 s17, $0xB;
	[tilespmem:v5+s2+$0x0] =	vst.idx.add.f32.msk $0xffff, v0;
	s19 =	smul.u32 $0xFA0, s19  }
.Ltmp5:
0x5d: {  	[tilespmem:v6+s2+$0x0] =	vst.idx.add.f32.msk $0xffff, v0;
	(pc) =	sbr.rel @p0 .LBB2_8-.Ltmp5, $4  }
0x5e: {  	[tilespmem:v7+s2+$0x0] =	vst.idx.add.f32.msk $0xffff, v0;
	s19 =	sadd.s32 s19, s7  }
0x5f: {  	[tilespmem:v8+s2+$0x0] =	vst.idx.add.f32.msk $0xffff, v0;
	s19 =	sshrl.u32 s19, $0x3  }
0x60: {  	s19 =	sadd.s32 s3, s19;
	[tilespmem:v1+s2+$0x0] =	vst.idx.add.f32.msk $0xffff, v0  }
0x61: {  	[tilespmem:s12], [sflag:$0x1] =	stream.linear.gather [hbm4b:s19+s2], $0xFA0, $0x38;
	[tilespmem:$0x1A700] =	vst v63  }
0x62: {  	_ =	swait.ge [sflag:s15], $0xFA0  }
0x63: {  	s19 =	simm.s32 $0x0;
	[sflag:s15] =	ssyncset.done $0x0  }
0x64: {  	s20 =	simm.s32 $0xA0;
	s19 =	sand.u32 $0xFE0, s19;
	[sflag:s15] =	ssyncadd.s32 $0xFFFFF060  }
0x65: {  	s31 =	sand.u32 $0xFE0, s20;
	v2 =	vld [tilespmem:s19+$0x19780]  }
0x66: {  	v1 =	vld [tilespmem:s31+$0x19780];
	s19 =	simm.s32 $0x19750  }
0x67: {  	v3 =	vld [tilespmem:s19+$0x40]  }
0x68: {  	v4 =	vld [tilespmem:s19+$0xFFFFFFB0]  }
0x69: {  	v5 =	vld [tilespmem:s19+$0xFFFFFFC0]  }
0x6a: {  	v6 =	vld [tilespmem:s19+$0xFFFFFFD0]  }
0x6b: {  	v7 =	vld [tilespmem:s19+$0xFFFFFFE0]  }
0x6c: {  	v8 =	vld [tilespmem:s19+$0xFFFFFFF0]  }
0x6d: {  	v9 =	vld [tilespmem:s19+$0x0]  }
0x6e: {  	[tilespmem:v2+s2+$0x0] =	vst.idx.add.f32.msk $0xffff, v0  }
0x6f: {  	v2 =	vld [tilespmem:s19+$0x10]  }
0x70: {  	[tilespmem:v3+s2+$0x0] =	vst.idx.add.f32.msk $0xffff, v0  }
0x71: {  	v3 =	vld [tilespmem:s19+$0x20]  }
0x72: {  	[tilespmem:v4+s2+$0x0] =	vst.idx.add.f32.msk $0xffff, v0  }
0x73: {  	[tilespmem:v5+s2+$0x0] =	vst.idx.add.f32.msk $0xffff, v0  }
0x74: {  	[tilespmem:v6+s2+$0x0] =	vst.idx.add.f32.msk $0xffff, v0  }
0x75: {  	[tilespmem:v7+s2+$0x0] =	vst.idx.add.f32.msk $0xffff, v0  }
0x76: {  	[tilespmem:v8+s2+$0x0] =	vst.idx.add.f32.msk $0xffff, v0  }
0x77: {  	[tilespmem:v9+s2+$0x0] =	vst.idx.add.f32.msk $0xffff, v0  }
.LBB2_6:
0x78: {  	s20 =	sadd.s32 $0xA0, s20;
	[tilespmem:v2+s2+$0x0] =	vst.idx.add.f32.msk $0xffff, v0  }
0x79: {  	s21 =	sand.u32 $0xFE0, s20;
	[tilespmem:v3+s2+$0x0] =	vst.idx.add.f32.msk $0xffff, v0  }
0x7a: {  	p0 =	slt.u32 s20, $0xF00;
	v2 =	vld [tilespmem:s21+$0x19780]  }
0x7b: {  	s19 =	sadd.s32 $0xA0, s19;
	[tilespmem:v1+s2+$0x0] =	vst.idx.add.f32.msk $0xffff, v0  }
0x7c: {  	v3 =	vld [tilespmem:s19+$0x40]  }
0x7d: {  	v4 =	vld [tilespmem:s19+$0xFFFFFFB0]  }
0x7e: {  	v5 =	vld [tilespmem:s19+$0xFFFFFFC0]  }
0x7f: {  	v6 =	vld [tilespmem:s19+$0xFFFFFFD0];
	v1 =	vmov v2  }
0x80: {  	v7 =	vld [tilespmem:s19+$0xFFFFFFE0]  }
0x81: {  	v8 =	vld [tilespmem:s19+$0xFFFFFFF0]  }
0x82: {  	v9 =	vld [tilespmem:s19+$0x0]  }
0x83: {  	v2 =	vld [tilespmem:s19+$0x10]  }
0x84: {  	[tilespmem:v3+s2+$0x0] =	vst.idx.add.f32.msk $0xffff, v0  }
0x85: {  	v3 =	vld [tilespmem:s19+$0x20]  }
0x86: {  	[tilespmem:v4+s2+$0x0] =	vst.idx.add.f32.msk $0xffff, v0  }
.Ltmp6:
0x87: {  	[tilespmem:v5+s2+$0x0] =	vst.idx.add.f32.msk $0xffff, v0;
	(pc) =	sbr.rel @p0 .LBB2_6-.Ltmp6, $4  }
0x88: {  	[tilespmem:v6+s2+$0x0] =	vst.idx.add.f32.msk $0xffff, v0  }
0x89: {  	[tilespmem:v7+s2+$0x0] =	vst.idx.add.f32.msk $0xffff, v0  }
0x8a: {  	[tilespmem:v8+s2+$0x0] =	vst.idx.add.f32.msk $0xffff, v0  }
0x8b: {  	[tilespmem:v9+s2+$0x0] =	vst.idx.add.f32.msk $0xffff, v0  }
0x8c: {  	_ =	sdelay $0x3  }
0x8d: {  	[tilespmem:v2+s2+$0x0] =	vst.idx.add.f32.msk $0xffff, v0  }
0x8e: {  	[tilespmem:v3+s2+$0x0] =	vst.idx.add.f32.msk $0xffff, v0  }
0x8f: {  	[tilespmem:v1+s2+$0x0] =	vst.idx.add.f32.msk $0xffff, v0;
	s19 =	sadd.s32 $0xA0, s19  }
0x90: {  	v1 =	vld [tilespmem:s19+$0x40]  }
0x91: {  	v2 =	vld [tilespmem:s19+$0xFFFFFFB0]  }
0x92: {  	v3 =	vld [tilespmem:s19+$0xFFFFFFC0]  }
0x93: {  	v4 =	vld [tilespmem:s19+$0xFFFFFFD0]  }
0x94: {  	v5 =	vld [tilespmem:s19+$0xFFFFFFE0]  }
0x95: {  	v6 =	vld [tilespmem:s19+$0xFFFFFFF0]  }
0x96: {  	v7 =	vld [tilespmem:s19+$0x0]  }
0x97: {  	v8 =	vld [tilespmem:s19+$0x10]  }
0x98: {  	[tilespmem:v1+s2+$0x0] =	vst.idx.add.f32.msk $0xffff, v0  }
0x99: {  	v1 =	vld [tilespmem:s19+$0x20]  }
0x9a: {  	[tilespmem:v2+s2+$0x0] =	vst.idx.add.f32.msk $0xffff, v0  }
0x9b: {  	[tilespmem:v3+s2+$0x0] =	vst.idx.add.f32.msk $0xffff, v0  }
0x9c: {  	s18 =	smin.u32 s18, $0x15;
	[tilespmem:v4+s2+$0x0] =	vst.idx.add.f32.msk $0xffff, v0  }
0x9d: {  	s18 =	smul.u32 $0xFA0, s18;
	[tilespmem:v5+s2+$0x0] =	vst.idx.add.f32.msk $0xffff, v0  }
.Ltmp7:
0x9e: {  	[tilespmem:v6+s2+$0x0] =	vst.idx.add.f32.msk $0xffff, v0;
	(pc) =	sbr.rel .LBB2_8-.Ltmp7, $4  }
0x9f: {  	s18 =	sadd.s32 s18, s8;
	[tilespmem:v7+s2+$0x0] =	vst.idx.add.f32.msk $0xffff, v0  }
0xa0: {  	s18 =	sshrl.u32 s18, $0x3;
	[tilespmem:v8+s2+$0x0] =	vst.idx.add.f32.msk $0xffff, v0  }
0xa1: {  	s18 =	sadd.s32 s3, s18;
	[tilespmem:v1+s2+$0x0] =	vst.idx.add.f32.msk $0xffff, v0  }
0xa2: {  	[tilespmem:s13], [sflag:$0x2] =	stream.linear.gather [hbm4b:s18+s2], $0xFA0, $0x38;
	[tilespmem:$0x1A700] =	vst v63  }
.LBB2_10:
0xa3: {  	_ =	sfence.sel $0x180000  }
0xa4: {  	[bflag:$0x0] =	sbarrier.arrive $0xFFFF  }
0xa5: {  	p0 =	sne.s32 s0, $0x0;
	_ =	strace $0x90000047  }
0xa6: {  	s0 =	sadd.s32 @!p0 $0x100000, s1;
	[bflag:$0x2] =	sbarrier.arrive $0xFFFF  }
0xa7: {  	[sflag:s0] =	ssyncadd.tile.s32 @!p0 $0x1;
	_ =	shalt  }
.Lfunc_end2:
_tile_overlayer_lowered:
.L_overlay_start_2:
0xa8: {  	(tag) =	ssettag $0x2  }
0xa9: {  	s0 =	rddreg [dreg:$0x0];
	s2 =	stileid.u32  }
0xaa: {  	s1 =	rddreg [dreg:$0x1];
	p0 =	sne.s32 s2, $0x0  }
0xab: {  	s3 =	rddreg [dreg:$0x2];
	[bflag:$0x3] =	sbarrier.arrive $0xFFFF;
	s2 =	simm.s32 @!p0 $0x1C03  }
0xac: {  	[timem:s3], [sflag:s2] =	dma.local @!p0 [hbm:s0], s1  }
0xad: {  	s0 =	simm.s32 @!p0 $0x3  }
0xae: {  	_ =	swait.ge @!p0 [sflag:s0], s1  }
0xaf: {  	s1 =	ssub.s32 @!p0 $0x0, s1;
	[sflag:s0] =	ssyncset.done @!p0 $0x0  }
0xb0: {  	[sflag:s0] =	ssyncadd.s32 @!p0 s1  }
0xb1: {  	[bflag:$0x3] =	sbarrier.arrive $0xFFFF  }
0xb2: {  	_ =	shalt  }

// kernel: kernel.9.cloned.1.call-start
scs
__scs_entry_jumppad:
0x0: {  	(pc) =	sbr.rel $0x88, $3  }
0x1: {  	(tag) =	ssettag $0x0;
	lr =	simm.s32 $0x1  }
0x2: {  	[smem:$0x3F9D] =	sst lr;
	_ =	strace $0xD0000000  }
0x3: {  	_ = 	snop  }
0x4: {  	_ = 	snop  }
0x5: {  	_ = 	snop  }
0x6: {  	_ = 	snop  }
0x7: {  	_ = 	snop  }
__scs_overlays_trampoline_lowered:
0x8: {  	[smem:$0x3FAC] =	sst s0  }
0x9: {  	[smem:$0x3FAD] =	sst s1  }
0xa: {  	[smem:$0x3FAE] =	sst s2  }
0xb: {  	[smem:$0x3FAF] =	sst s3  }
0xc: {  	[smem:$0x3FB0] =	sst s4  }
0xd: {  	[smem:$0x3FB1] =	sst s5  }
0xe: {  	[smem:$0x3FB2] =	sst s6  }
0xf: {  	[smem:$0x3FB3] =	sst s7  }
0x10: {  	[smem:$0x3FB4] =	sst s8  }
0x11: {  	[smem:$0x3FB5] =	sst s9;
	s0 =	simm.s32 @!p0 $0x0  }
0x12: {  	s1 =	sld [smem:$0x3F9B];
	s0 =	simm.s32 @p0 $0x1  }
0x13: {  	[smem:$0x3FB6] =	sst s0;
	s0 =	simm.s32 @!p1 $0x0  }
0x14: {  	s2 =	sld [smem:$0x3F9A];
	s0 =	simm.s32 @p1 $0x1  }
0x15: {  	[smem:$0x3FB7] =	sst s0;
	s0 =	simm.s32 @!p2 $0x0  }
0x16: {  	s3 =	sld [smem:$0x3FDB];
	s0 =	simm.s32 @p2 $0x1  }
0x17: {  	s4 =	simm.s32 $0x1BF5;
	[smem:$0x3FB9] =	sst s0  }
0x18: {  	s0 =	sld [smem:$0x3F9C];
	_ =	swait.ge [sflag:s4], $0x0  }
0x19: {  	s7 =	sld [smem:$0x3F9D]  }
0x1a: {  	s8 =	sadd.s32 $0xFFFFE003, lr  }
0x1b: {  	s9 =	sadd.s32 $0xFFFFFEF7, lr;
	s5 =	simm.s32 $0xFFFFFFFF;
	p2 =	slt.u32 s8, $0xFFFFF086  }
0x1c: {  	p1 =	slt.u32 s9, $0xF7A;
	s5 =	simm.s32 @!p2 $0x0  }
0x1d: {  	s5 =	simm.s32 @p1 $0x1;
	p0 =	seq.s32 s7, s2  }
0x1e: {  	s7 =	smul.u32 @!p0 $0xF7A, s2;
	p2 =	seq.s32 @!p0 s5, $0x0  }
0x1f: {  	s9 =	smul.u32 $0xF7A, s1;
	s8 =	simm.s32 @!p0 $0x1BF5;
	p2 =	por !p2, p0  }
0x20: {  	[sflag:s8] =	ssyncset.s32 @!p0 $0xFFFFF086;
	s6 =	sadd.s32 @!p0 s3, s7;
	s7 =	simm.s32 @!p0 $0x108  }
0x21: {  	s3 =	sadd.s32 s3, s9;
	s6 =	sadd.s32 @!p0 $0x88, s6;
	s7 =	simm.s32 @p2 $0x1082  }
0x22: {  	[simem:s7], [sflag:s8] =	dma.local @!p0 [hbm:s6], $0xF7A  }
0x23: {  	s9 =	sor.u32 $0xD0000000, s2;
	s6 =	simm.s32 $0x108;
	_ =	swait.ge @!p0 [sflag:s8], $0x0  }
0x24: {  	s3 =	sadd.s32 $0x88, s3;
	s6 =	simm.s32 @!p1 $0x1082;
	[sflag:s4] =	ssyncset.s32 $0xFFFFF086  }
0x25: {  	[simem:s6], [sflag:s4] =	dma.local [hbm:s3], $0xF7A  }
0x26: {  	[smem:$0x3F9D] =	sst s1;
	(tag) =	ssettag s2;
	_ =	strace s9  }
0x27: {  	s1 =	sld [smem:$0x3FAD]  }
0x28: {  	s2 =	sld [smem:$0x3FAE]  }
0x29: {  	s4 =	sld [smem:$0x3FB0]  }
0x2a: {  	p0 =	seq.s32 s5, $0x0;
	s5 =	sld [smem:$0x3FB1]  }
0x2b: {  	s6 =	sld [smem:$0x3FB2]  }
0x2c: {  	s7 =	sld [smem:$0x3FB3]  }
0x2d: {  	s3 =	simm.s32 $0x108;
	s8 =	sld [smem:$0x3FB4]  }
0x2e: {  	s3 =	simm.s32 @!p0 $0x1082;
	s9 =	sld [smem:$0x3FB5]  }
0x2f: {  	lr =	sadd.s32 s0, s3;
	s0 =	sld [smem:$0x3FAC]  }
0x30: {  	s3 =	sld [smem:$0x3FAF]  }
0x31: {  	[smem:$0x3FB8] =	sst s10  }
0x32: {  	s10 =	sld [smem:$0x3FB6];
	_ =	sdelay $0x3  }
0x33: {  	p0 =	seq.s32 s10, $0x1;
	s10 =	sld [smem:$0x3FB8];
	_ =	sdelay $0x3  }
0x34: {  	[smem:$0x3FB8] =	sst s10  }
0x35: {  	s10 =	sld [smem:$0x3FB7];
	_ =	sdelay $0x3  }
0x36: {  	p1 =	seq.s32 s10, $0x1;
	s10 =	sld [smem:$0x3FB8];
	_ =	sdelay $0x3  }
0x37: {  	[smem:$0x3FB8] =	sst s10  }
0x38: {  	s10 =	sld [smem:$0x3FB9]  }
0x39: {  	_ = 	snop;
	(pc) =	sbr.ind lr, $3  }
0x3a: {  	_ = 	snop  }
0x3b: {  	_ = 	snop  }
0x3c: {  	p2 =	seq.s32 s10, $0x1;
	s10 =	sld [smem:$0x3FB8]  }
0x3d: {  	_ =	shalt  }
0x3e: {  	_ =	shalt  }
0x3f: {  	_ =	shalt  }
0x40: {  	_ =	shalt  }
0x41: {  	_ =	shalt  }
0x42: {  	_ =	shalt  }
0x43: {  	_ =	shalt  }
0x44: {  	_ =	shalt  }
0x45: {  	_ =	shalt  }
0x46: {  	_ =	shalt  }
0x47: {  	_ =	shalt  }
0x48: {  	_ =	shalt  }
0x49: {  	_ =	shalt  }
0x4a: {  	_ =	shalt  }
0x4b: {  	_ =	shalt  }
0x4c: {  	_ =	shalt  }
0x4d: {  	_ =	shalt  }
0x4e: {  	_ =	shalt  }
0x4f: {  	_ =	shalt  }
0x50: {  	_ =	shalt  }
0x51: {  	_ =	shalt  }
0x52: {  	_ =	shalt  }
0x53: {  	_ =	shalt  }
0x54: {  	_ =	shalt  }
0x55: {  	_ =	shalt  }
0x56: {  	_ =	shalt  }
0x57: {  	_ =	shalt  }
0x58: {  	_ =	shalt  }
0x59: {  	_ =	shalt  }
0x5a: {  	_ =	shalt  }
0x5b: {  	_ =	shalt  }
0x5c: {  	_ =	shalt  }
0x5d: {  	_ =	shalt  }
0x5e: {  	_ =	shalt  }
0x5f: {  	_ =	shalt  }
0x60: {  	_ =	shalt  }
0x61: {  	_ =	shalt  }
0x62: {  	_ =	shalt  }
0x63: {  	_ =	shalt  }
0x64: {  	_ =	shalt  }
0x65: {  	_ =	shalt  }
0x66: {  	_ =	shalt  }
0x67: {  	_ =	shalt  }
0x68: {  	_ =	shalt  }
0x69: {  	_ =	shalt  }
0x6a: {  	_ =	shalt  }
0x6b: {  	_ =	shalt  }
0x6c: {  	_ =	shalt  }
0x6d: {  	_ =	shalt  }
0x6e: {  	_ =	shalt  }
0x6f: {  	_ =	shalt  }
0x70: {  	_ =	shalt  }
0x71: {  	_ =	shalt  }
0x72: {  	_ =	shalt  }
0x73: {  	_ =	shalt  }
0x74: {  	_ =	shalt  }
0x75: {  	_ =	shalt  }
0x76: {  	_ =	shalt  }
0x77: {  	_ =	shalt  }
0x78: {  	_ =	shalt  }
0x79: {  	_ =	shalt  }
0x7a: {  	_ =	shalt  }
0x7b: {  	_ =	shalt  }
0x7c: {  	_ =	shalt  }
0x7d: {  	_ =	shalt  }
0x7e: {  	_ =	shalt  }
0x7f: {  	_ =	shalt  }
0x80: {  	_ =	shalt  }
0x81: {  	_ =	shalt  }
0x82: {  	_ =	shalt  }
0x83: {  	_ =	shalt  }
0x84: {  	_ =	shalt  }
0x85: {  	_ =	shalt  }
0x86: {  	_ =	shalt  }
0x87: {  	_ =	shalt  }
.Lfunc_end0:
.L_simem_size_0:
called_computation.1_lowered:
.L_overlay_start_0:
0x88: {  	s2 =	sld [smem:$0x3FD9]  }
0x89: {  	s3 =	sld [smem:$0x3FFE];
	_ =	sdelay $0x1  }
0x8a: {  	s1 =	srdreg.scid  }
0x8b: {  	s0 =	sand.u32 $0x1, s1  }
0x8c: {  	s17 =	sshll.u32 s0, $0xA;
	s2 =	sadd.s32 s3, s2  }
0x8d: {  	s2 =	sadd.s32 s2, s17  }
0x8e: {  	[smem:$0x3FC4] =	sst s2  }
0x8f: {  	_ = 	snop  }
0x90: {  	s2 =	sld [smem:$0x3FD0];
	(tm) =	ssettm $0x1  }
0x91: {  	s18 =	sld [smem:$0x3FFB];
	_ =	sdelay $0x3  }
0x92: {  	_ =	strace s18  }
0x93: {  	s3 =	sld [smem:$0x3FFC];
	_ =	sdelay $0x3  }
0x94: {  	_ =	strace s3  }
0x95: {  	s3 =	sld [smem:$0x3FFD];
	_ =	sdelay $0x3  }
0x96: {  	_ =	strace s3  }
0x97: {  	_ =	strace $0x8FFFFFFF  }
0x98: {  	s19 =	sld [smem:$0x3FDB];
	_ =	sdelay $0x1  }
0x99: {  	s4 =	simm.s32 $_scs_section_size  }
0x9a: {  	s5 =	simm.s32 $_size__tile_overlayer_lowered;
	s6 =	simm.s32 $_tile_overlayer_lowered  }
0x9b: {  	s22 =	simm.s32 $0x1BFF;
	s21 =	sshll.u32 s6, $0x1;
	s3 =	sadd.s32 s4, s19  }
0x9c: {  	s7 =	simm.s32 $0x0;
	s20 =	sshll.u32 s5, $0x1;
	s5 =	sadd.s32 s21, s3  }
0x9d: {  	[timem:s7], [sflag:s22] =	dma.local [hbm:s5], s20  }
0x9e: {  	_ =	swait.ge [sflag:s22], s20  }
0x9f: {  	s4 =	ssub.s32 $0x0, s20;
	[sflag:s22] =	ssyncset.done $0x0  }
0xa0: {  	[sflag:s22] =	ssyncadd.s32 s4;
	_ =	sdelay $0x1  }
0xa1: {  	s23 =	simm.s32 $0x1B8B  }
0xa2: {  	_ =	swait.ge [sflag:s23], $0x1  }
0xa3: {  	[sflag:s23] =	ssyncset.done $0x0  }
0xa4: {  	s25 =	simm.s32 $0x1B8E;
	s24 =	sld [smem:$0x3FFE];
	[sflag:s23] =	ssyncadd.s32 $0xFFFFFFFF  }
0xa5: {  	s26 =	simm.s32 $execute0_lowered;
	[smem:$0x3FD2] =	sst s25  }
0xa6: {  	s5 =	sshll.u32 s26, $0x1;
	_ =	strace $0x80000049;
	[dreg:$0x1] =	wrdreg $0xFFFFFFFF  }
0xa7: {  	s28 =	simm.s32 $_size_execute0_lowered;
	s3 =	sadd.s32 s3, s5;
	[dreg:$0x0] =	wrdreg $0x0  }
0xa8: {  	s5 =	sshll.u32 s28, $0x1;
	[dreg:$0x2] =	wrdreg s3  }
0xa9: {  	[dreg:$0x3] =	wrdreg s5  }
0xaa: {  	[dreg:$0x4] =	wrdreg $0xC0  }
0xab: {  	_ =	task [dreg:s7], $0x5FFFF  }
0xac: {  	[dreg:$0x1] =	wrdreg $0xFFFFFFFF  }
0xad: {  	[dreg:$0x0] =	wrdreg $0x60  }
0xae: {  	[dreg:$0x2] =	wrdreg s24  }
0xaf: {  	[dreg:$0x3] =	wrdreg s2  }
0xb0: {  	[dreg:$0x4] =	wrdreg $0x9  }
0xb1: {  	_ =	task.clear_ibuf [dreg:s7], $0x5FFFF;
	_ =	strace $0x90000049  }
0xb2: {  	s29 =	simm.s32 $0x9;
	_ =	strace $0x8000004B  }
0xb3: {  	_ =	swait.ge [sflag:s29], $0x1  }
0xb4: {  	[sflag:s29] =	ssyncadd.s32 $0xFFFFFFFF  }
0xb5: {  	_ =	strace $0x9000004B  }
0xb6: {  	_ =	sfence  }
0xb7: {  	s30 =	sld [smem:$0x0];
	_ =	sdelay $0x2  }
0xb8: {  	s31 =	sshll.u32 s1, $0xD;
	s1 =	sshrl.u32 s1, $0x2  }
0xb9: {  	s3 =	sand.u32 $0x4000, s31;
	s1 =	sadd.s32 s1, s30  }
0xba: {  	s0 =	sor.u32 s3, s0;
	s1 =	sshll.u32 s1, $0x11  }
0xbb: {  	s0 =	sor.u32 s1, s0  }
0xbc: {  	s0 =	sadd.s32 $0x8F2B, s0  }
0xbd: {  	[sflag:s0] =	ssyncadd.remote.s32 $0x1  }
0xbe: {  	_ =	sfence.sel $0xFFFF  }
0xbf: {  	[dreg:$0x0] =	wrdreg $0xFFFFFFFF;
	(pc) =	sbr.abs _section_cstart, $3  }
0xc0: {  	[dreg:$0x1] =	wrdreg $0xFFFFFFFF  }
0xc1: {  	_ =	task.clear_ibuf [dreg:s7], $0x2FFFF;
	_ =	strace $0x9FFFFFFF  }
0xc2: {  	(tm) =	ssettm $0x7FFFFFFF  }
0xc3: {  	_ =	shalt  }
tec
execute0_lowered:
.L_overlay_start_1:
0x0: {  	(tag) =	ssettag $0x1  }
0x1: {  	s3 =	stileid.u32;
	s0 =	rddreg [dreg:$0x0]  }
0x2: {  	s1 =	srdreg.scid;
	s5 =	rddreg [dreg:$0x1];
	s28 =	simm.s32 $0x3  }
0x3: {  	s29 =	simm.s32 $0x4;
	s30 =	simm.s32 $0x0;
	s2 =	sshll.u32 s3, $0x1  }
0x4: {  	s1 =	sand.u32 $0x1, s1;
	s6 =	sshrl.u32 s3, $0x2;
	s3 =	sadd.s32 $0x63E00, s0  }
0x5: {  	s4 =	sadd.s32 $0x2200, s0;
	s10 =	sadd.s32 $0xC5A00, s0;
	s9 =	smul.u32 $0xC3800, s6  }
0x6: {  	s2 =	sand.u32 $0x6, s2;
	s13 =	smul.u32 $0xC3500, s6;
	s6 =	sadd.s32 $0x12A800, s0  }
0x7: {  	s7 =	sor.u32 s1, s2;
	s2 =	simm.s32 $0x0;
	s1 =	ssub.s32 $0x2, s1  }
0x8: {  	s8 =	smul.u32 $0x18700, s7;
	[smem:$0x7FF] =	sst s2;
	s20 =	sshrl.u32 s1, $0x1  }
0x9: {  	s23 =	sadd.s32 $0x1900, s13;
	s7 =	smul.u32 $0x30D400, s7;
	s24 =	sshrl.u32 s13, $0x3  }
0xa: {  	s12 =	sadd.s32 $0x3200, s13;
	_ =	strace $0x8000004A;
	[dreg:$0x3] =	wrdreg s10  }
0xb: {  	s21 =	ssub.s32 s1, s20;
	s25 =	sshrl.u32 s23, $0x3;
	s26 =	sadd.s32 s3, s24  }
0xc: {  	s14 =	sadd.s32 s4, s24;
	s20 =	simm.s32 $0x5;
	s24 =	simm.s32 $0x1B900  }
0xd: {  	s9 =	sadd.s32 s9, s8;
	s22 =	sshrl.u32 s8, $0x3;
	[dreg:$0x5] =	wrdreg s26  }
0xe: {  	s10 =	sadd.s32 s3, s25;
	s11 =	sadd.s32 s13, s7;
	s13 =	sadd.s32 $0x4B00, s13  }
0xf: {  	s8 =	sadd.s32 s23, s7;
	s16 =	sadd.s32 s4, s25;
	s19 =	smax.u32 s21, $0x1  }
.Ltmp0:
0x10: {  	s21 =	simm.s32 $0x18700;
	s23 =	simm.s32 $0x1;
	(pc) =	sbr.rel .LBB2_1-.Ltmp0, $4  }
0x11: {  	s25 =	simm.s32 $0x2;
	s26 =	simm.s32 $0x1D200;
	s9 =	sshrl.u32 s9, $0x3  }
0x12: {  	s1 =	sadd.s32 s5, s22;
	s31 =	sshrl.u32 s11, $0x3;
	s8 =	sshrl.u32 s8, $0x3  }
0x13: {  	s22 =	simm.s32 $0x1A000;
	s9 =	sadd.s32 s9, s0;
	[dreg:$0x4] =	wrdreg s1  }
0x14: {  	s15 =	sadd.s32 s6, s31;
	s17 =	sadd.s32 s6, s8;
	s18 =	sadd.s32 $0x437C00, s9  }
.LBB2_17:
0x15: {  	_ =	swait.ge [sflag:s23], $0x1900  }
0x16: {  	[sflag:s23] =	ssyncset.done $0x0  }
0x17: {  	[sflag:s23] =	ssyncadd.s32 $0xFFFFE700  }
0x18: {  	_ =	swait.ge [sflag:s25], $0x1900  }
0x19: {  	[sflag:s25] =	ssyncset.done $0x0  }
0x1a: {  	[sflag:s25] =	ssyncadd.s32 $0xFFFFE700  }
0x1b: {  	_ =	swait.ge [sflag:s28], $0x1900  }
0x1c: {  	[sflag:s28] =	ssyncset.done $0x0  }
0x1d: {  	[sflag:s28] =	ssyncadd.s32 $0xFFFFE700  }
0x1e: {  	s30 =	sadd.s32 $0x1, s30;
	_ =	swait.ge [sflag:s29], $0x1900  }
0x1f: {  	p0 =	sne.s32 s30, s19;
	[sflag:s29] =	ssyncset.done $0x0  }
.Ltmp1:
0x20: {  	[sflag:s29] =	ssyncadd.s32 $0xFFFFE700;
	(pc) =	sbr.rel @!p0 .LBB2_18-.Ltmp1, $4  }
0x21: {  	[hbm4b:s18+s2] =	stream.linear.scatter [tilespmem:s2], [sflag:$0x5], $0x18700, $0x38;
	[tilespmem:$0x1EB00] =	vst v63  }
0x22: {  	_ =	swait.ge [sflag:s20], $0x18700  }
0x23: {  	[sflag:s20] =	ssyncset.done $0x0  }
0x24: {  	[sflag:s20] =	ssyncadd.s32 $0xFFFE7900  }
.LBB2_1:
0x25: {  	s0 =	rddreg [dreg:$0x4]  }
0x26: {  	[tilespmem:s2], [sflag:$0x5] =	stream.linear.gather [hbm4b:s0+s2], $0x18700, $0x38;
	[tilespmem:$0x1EB00] =	vst v63  }
0x27: {  	_ =	swait.ge [sflag:s20], $0x18700  }
.Ltmp2:
0x28: {  	[sflag:s20] =	ssyncset.done $0x0;
	(pc) =	sbr.rel .LBB2_2-.Ltmp2, $4  }
0x29: {  	s9 =	rddreg [dreg:$0x5];
	[sflag:s20] =	ssyncadd.s32 $0xFFFE7900  }
0x2a: {  	[tilespmem:s21], [sflag:$0x1] =	stream.linear.gather [hbm4b:s9+s2], $0x1900, $0x38;
	[tilespmem:$0x1EB00] =	vst v63  }
0x2b: {  	s31 =	simm.s32 $0x0  }
0x2c: {  	[tilespmem:s22], [sflag:$0x2] =	stream.linear.gather [hbm4b:s10+s2], $0x1900, $0x38;
	[tilespmem:$0x1EB00] =	vst v63  }
.LBB2_8:
0x2d: {  	s31 =	sadd.s32 $0x1, s31  }
0x2e: {  	p0 =	sne.s32 s31, $0x3F  }
.Ltmp3:
0x2f: {  	_ = 	snop;
	(pc) =	sbr.rel @!p0 .LBB2_9-.Ltmp3, $1  }
0x30: {  	_ =	sdelay $0x3  }
.LBB2_2:
0x31: {  	_ =	swait.ge [sflag:s23], $0x1900  }
0x32: {  	p0 =	seq.s32 s31, $0x0;
	[sflag:s23] =	ssyncset.done $0x0  }
0x33: {  	s0 =	simm.s32 @!p0 $0x3;
	[sflag:s23] =	ssyncadd.s32 $0xFFFFE700  }
0x34: {  	_ =	swait.ge @!p0 [sflag:s0], $0x1900  }
0x35: {  	[sflag:s0] =	ssyncset.done @!p0 $0x0  }
0x36: {  	s9 =	simm.s32 $0x18780;
	[sflag:s0] =	ssyncadd.s32 @!p0 $0xFFFFE700  }
0x37: {  	v0 =	vld [tilespmem:s9+$0x70]  }
0x38: {  	v1 =	vld [tilespmem:s9+$0xFFFFFF90]  }
0x39: {  	v2 =	vld [tilespmem:s9+$0xFFFFFFA0]  }
0x3a: {  	v3 =	vld [tilespmem:s9+$0xFFFFFFB0]  }
0x3b: {  	v4 =	vld [tilespmem:s9+$0xFFFFFFC0]  }
0x3c: {  	v5 =	vld [tilespmem:s9+$0xFFFFFFD0]  }
0x3d: {  	v6 =	vld [tilespmem:s9+$0xFFFFFFE0]  }
0x3e: {  	v7 =	vld [tilespmem:s9+$0xFFFFFFF0]  }
0x3f: {  	v8 =	vld [tilespmem:s9+$0x0]  }
0x40: {  	v9 =	vld [tilespmem:s9+$0x10]  }
0x41: {  	v10 =	vld [tilespmem:s9+$0x20]  }
0x42: {  	v11 =	vld [tilespmem:s9+$0x30]  }
0x43: {  	v12 =	vld [tilespmem:s9+$0x40]  }
0x44: {  	v13 =	vld [tilespmem:s9+$0x50]  }
0x45: {  	v14 =	vld [tilespmem:s9+$0x60]  }
0x46: {  	v15 =	vld [tilespmem:s9+$0xFFFFFF80]  }
0x47: {  	v0 =	vld.idx.msk [tilespmem:v0+s2+$0x0], $0xffff  }
0x48: {  	v1 =	vld.idx.msk [tilespmem:v1+s2+$0x0], $0xffff  }
0x49: {  	v2 =	vld.idx.msk [tilespmem:v2+s2+$0x0], $0xffff  }
0x4a: {  	v3 =	vld.idx.msk [tilespmem:v3+s2+$0x0], $0xffff  }
0x4b: {  	v4 =	vld.idx.msk [tilespmem:v4+s2+$0x0], $0xffff  }
0x4c: {  	s0 =	simm.s32 $0x1B980;
	v5 =	vld.idx.msk [tilespmem:v5+s2+$0x0], $0xffff  }
0x4d: {  	v6 =	vld.idx.msk [tilespmem:v6+s2+$0x0], $0xffff;
	[tilespmem:s0+$0x70] =	vst v0  }
0x4e: {  	v7 =	vld.idx.msk [tilespmem:v7+s2+$0x0], $0xffff;
	[tilespmem:s0+$0xFFFFFF90] =	vst v1  }
0x4f: {  	v15 =	vld.idx.msk [tilespmem:v15+s2+$0x0], $0xffff;
	[tilespmem:s0+$0xFFFFFFA0] =	vst v2  }
0x50: {  	v8 =	vld.idx.msk [tilespmem:v8+s2+$0x0], $0xffff;
	[tilespmem:s0+$0xFFFFFFB0] =	vst v3  }
0x51: {  	[tilespmem:s0+$0xFFFFFFC0] =	vst v4;
	v0 =	vld.idx.msk [tilespmem:v9+s2+$0x0], $0xffff  }
0x52: {  	[tilespmem:s0+$0xFFFFFFD0] =	vst v5;
	v1 =	vld.idx.msk [tilespmem:v10+s2+$0x0], $0xffff  }
0x53: {  	[tilespmem:s0+$0xFFFFFFE0] =	vst v6;
	v2 =	vld.idx.msk [tilespmem:v11+s2+$0x0], $0xffff  }
0x54: {  	[tilespmem:s0+$0xFFFFFFF0] =	vst v7;
	v3 =	vld.idx.msk [tilespmem:v12+s2+$0x0], $0xffff  }
0x55: {  	[tilespmem:s0+$0xFFFFFF80] =	vst v15;
	v4 =	vld.idx.msk [tilespmem:v13+s2+$0x0], $0xffff  }
0x56: {  	s1 =	sshll.u32 s31, $0x1;
	s5 =	simm.s32 $0x0;
	s8 =	simm.s32 $0x18880;
	[tilespmem:s0+$0x0] =	vst v8;
	v5 =	vld.idx.msk [tilespmem:v14+s2+$0x0], $0xffff  }
.LBB2_3:
0x57: {  	v6 =	vld [tilespmem:s8+$0x70];
	s5 =	sadd.s32 $0x100, s5;
	[tilespmem:s0+$0x10] =	vst v0  }
0x58: {  	v0 =	vld [tilespmem:s8+$0xFFFFFF90];
	p1 =	slt.u32 s5, $0x1800;
	[tilespmem:s0+$0x20] =	vst v1  }
0x59: {  	v1 =	vld [tilespmem:s8+$0xFFFFFFA0];
	[tilespmem:s0+$0x30] =	vst v2  }
0x5a: {  	v2 =	vld [tilespmem:s8+$0xFFFFFFB0];
	[tilespmem:s0+$0x40] =	vst v3  }
0x5b: {  	v3 =	vld [tilespmem:s8+$0xFFFFFFC0];
	[tilespmem:s0+$0x50] =	vst v4  }
0x5c: {  	v4 =	vld [tilespmem:s8+$0xFFFFFFD0];
	[tilespmem:s0+$0x60] =	vst v5  }
0x5d: {  	v5 =	vld [tilespmem:s8+$0xFFFFFFE0]  }
0x5e: {  	v7 =	vld [tilespmem:s8+$0xFFFFFFF0]  }
0x5f: {  	v6 =	vld.idx.msk [tilespmem:v6+s2+$0x0], $0xffff  }
0x60: {  	v8 =	vld [tilespmem:s8+$0x0]  }
0x61: {  	v9 =	vld [tilespmem:s8+$0x10]  }
0x62: {  	v10 =	vld [tilespmem:s8+$0x20]  }
0x63: {  	v11 =	vld [tilespmem:s8+$0x30]  }
0x64: {  	s0 =	sadd.s32 $0x100, s0;
	v12 =	vld [tilespmem:s8+$0x40]  }
0x65: {  	v13 =	vld [tilespmem:s8+$0x50];
	[tilespmem:s0+$0x70] =	vst v6  }
0x66: {  	v6 =	vld [tilespmem:s8+$0x60]  }
0x67: {  	v14 =	vld [tilespmem:s8+$0xFFFFFF80]  }
0x68: {  	v0 =	vld.idx.msk [tilespmem:v0+s2+$0x0], $0xffff  }
0x69: {  	v1 =	vld.idx.msk [tilespmem:v1+s2+$0x0], $0xffff  }
0x6a: {  	v2 =	vld.idx.msk [tilespmem:v2+s2+$0x0], $0xffff  }
0x6b: {  	v3 =	vld.idx.msk [tilespmem:v3+s2+$0x0], $0xffff  }
0x6c: {  	v4 =	vld.idx.msk [tilespmem:v4+s2+$0x0], $0xffff  }
0x6d: {  	v5 =	vld.idx.msk [tilespmem:v5+s2+$0x0], $0xffff  }
0x6e: {  	[tilespmem:s0+$0xFFFFFF90] =	vst v0;
	v7 =	vld.idx.msk [tilespmem:v7+s2+$0x0], $0xffff  }
0x6f: {  	v14 =	vld.idx.msk [tilespmem:v14+s2+$0x0], $0xffff;
	[tilespmem:s0+$0xFFFFFFA0] =	vst v1  }
0x70: {  	[tilespmem:s0+$0xFFFFFFB0] =	vst v2;
	v8 =	vld.idx.msk [tilespmem:v8+s2+$0x0], $0xffff  }
0x71: {  	[tilespmem:s0+$0xFFFFFFC0] =	vst v3;
	v0 =	vld.idx.msk [tilespmem:v9+s2+$0x0], $0xffff  }
.Ltmp4:
0x72: {  	[tilespmem:s0+$0xFFFFFFD0] =	vst v4;
	v1 =	vld.idx.msk [tilespmem:v10+s2+$0x0], $0xffff;
	(pc) =	sbr.rel @p1 .LBB2_3-.Ltmp4, $4  }
0x73: {  	[tilespmem:s0+$0xFFFFFFE0] =	vst v5;
	v2 =	vld.idx.msk [tilespmem:v11+s2+$0x0], $0xffff  }
0x74: {  	[tilespmem:s0+$0xFFFFFFF0] =	vst v7;
	v3 =	vld.idx.msk [tilespmem:v12+s2+$0x0], $0xffff  }
0x75: {  	[tilespmem:s0+$0xFFFFFF80] =	vst v14;
	v4 =	vld.idx.msk [tilespmem:v13+s2+$0x0], $0xffff  }
0x76: {  	s8 =	sadd.s32 $0x100, s8;
	[tilespmem:s0+$0x0] =	vst v8;
	v5 =	vld.idx.msk [tilespmem:v6+s2+$0x0], $0xffff  }
0x77: {  	[tilespmem:s0+$0x10] =	vst v0  }
0x78: {  	[tilespmem:s0+$0x20] =	vst v1;
	s5 =	smul.u32 $0x3200, s31;
	s8 =	smin.u32 s1, $0x7A  }
0x79: {  	[tilespmem:s0+$0x30] =	vst v2;
	s8 =	smul.u32 $0x1900, s8  }
0x7a: {  	[tilespmem:s0+$0x40] =	vst v3;
	s5 =	sadd.s32 s5, s11  }
0x7b: {  	[tilespmem:s0+$0x50] =	vst v4;
	s5 =	sshrl.u32 s5, $0x3;
	s9 =	sadd.s32 s8, s12  }
0x7c: {  	[tilespmem:s0+$0x60] =	vst v5;
	s5 =	sadd.s32 s6, s5;
	s0 =	sshrl.u32 s9, $0x3  }
0x7d: {  	[hbm4b:s5+s2] =	stream.linear.scatter [tilespmem:s24], [sflag:$0x3], $0x1900, $0x38;
	[tilespmem:$0x1EB00] =	vst v63  }
0x7e: {  	s0 =	sadd.s32 s3, s0  }
0x7f: {  	[tilespmem:s21], [sflag:$0x1] =	stream.linear.gather [hbm4b:s0+s2], $0x1900, $0x38;
	[tilespmem:$0x1EB00] =	vst v63  }
0x80: {  	s0 =	sor.u32 $0x1, s1  }
0x81: {  	p1 =	sgt.u32 s0, $0x7C  }
.Ltmp5:
0x82: {  	_ = 	snop;
	(pc) =	sbr.rel @p1 .LBB2_8-.Ltmp5, $1  }
0x83: {  	_ =	sdelay $0x3  }
0x84: {  	_ =	swait.ge [sflag:s25], $0x1900  }
0x85: {  	[sflag:s25] =	ssyncset.done $0x0  }
0x86: {  	s5 =	simm.s32 @!p0 $0x4;
	[sflag:s25] =	ssyncadd.s32 $0xFFFFE700  }
0x87: {  	_ =	swait.ge @!p0 [sflag:s5], $0x1900  }
0x88: {  	[sflag:s5] =	ssyncset.done @!p0 $0x0  }
0x89: {  	s9 =	simm.s32 $0x1A080;
	[sflag:s5] =	ssyncadd.s32 @!p0 $0xFFFFE700  }
0x8a: {  	v0 =	vld [tilespmem:s9+$0x70]  }
0x8b: {  	v1 =	vld [tilespmem:s9+$0xFFFFFF90]  }
0x8c: {  	v2 =	vld [tilespmem:s9+$0xFFFFFFA0]  }
0x8d: {  	v3 =	vld [tilespmem:s9+$0xFFFFFFB0]  }
0x8e: {  	v4 =	vld [tilespmem:s9+$0xFFFFFFC0]  }
0x8f: {  	v5 =	vld [tilespmem:s9+$0xFFFFFFD0]  }
0x90: {  	v6 =	vld [tilespmem:s9+$0xFFFFFFE0]  }
0x91: {  	v7 =	vld [tilespmem:s9+$0xFFFFFFF0]  }
0x92: {  	v8 =	vld [tilespmem:s9+$0x0]  }
0x93: {  	v9 =	vld [tilespmem:s9+$0x10]  }
0x94: {  	v10 =	vld [tilespmem:s9+$0x20]  }
0x95: {  	v11 =	vld [tilespmem:s9+$0x30]  }
0x96: {  	v12 =	vld [tilespmem:s9+$0x40]  }
0x97: {  	v13 =	vld [tilespmem:s9+$0x50]  }
0x98: {  	v14 =	vld [tilespmem:s9+$0x60]  }
0x99: {  	v15 =	vld [tilespmem:s9+$0xFFFFFF80]  }
0x9a: {  	v0 =	vld.idx.msk [tilespmem:v0+s2+$0x0], $0xffff  }
0x9b: {  	v1 =	vld.idx.msk [tilespmem:v1+s2+$0x0], $0xffff  }
0x9c: {  	v2 =	vld.idx.msk [tilespmem:v2+s2+$0x0], $0xffff  }
0x9d: {  	v3 =	vld.idx.msk [tilespmem:v3+s2+$0x0], $0xffff  }
0x9e: {  	v4 =	vld.idx.msk [tilespmem:v4+s2+$0x0], $0xffff  }
0x9f: {  	s5 =	simm.s32 $0x1D280;
	v5 =	vld.idx.msk [tilespmem:v5+s2+$0x0], $0xffff  }
0xa0: {  	v6 =	vld.idx.msk [tilespmem:v6+s2+$0x0], $0xffff;
	[tilespmem:s5+$0x70] =	vst v0  }
0xa1: {  	v7 =	vld.idx.msk [tilespmem:v7+s2+$0x0], $0xffff;
	[tilespmem:s5+$0xFFFFFF90] =	vst v1  }
0xa2: {  	v15 =	vld.idx.msk [tilespmem:v15+s2+$0x0], $0xffff;
	[tilespmem:s5+$0xFFFFFFA0] =	vst v2  }
0xa3: {  	v8 =	vld.idx.msk [tilespmem:v8+s2+$0x0], $0xffff;
	[tilespmem:s5+$0xFFFFFFB0] =	vst v3  }
0xa4: {  	[tilespmem:s5+$0xFFFFFFC0] =	vst v4;
	v0 =	vld.idx.msk [tilespmem:v9+s2+$0x0], $0xffff  }
0xa5: {  	[tilespmem:s5+$0xFFFFFFD0] =	vst v5;
	v1 =	vld.idx.msk [tilespmem:v10+s2+$0x0], $0xffff  }
0xa6: {  	[tilespmem:s5+$0xFFFFFFE0] =	vst v6;
	v2 =	vld.idx.msk [tilespmem:v11+s2+$0x0], $0xffff  }
0xa7: {  	[tilespmem:s5+$0xFFFFFFF0] =	vst v7;
	v3 =	vld.idx.msk [tilespmem:v12+s2+$0x0], $0xffff  }
0xa8: {  	[tilespmem:s5+$0xFFFFFF80] =	vst v15;
	v4 =	vld.idx.msk [tilespmem:v13+s2+$0x0], $0xffff  }
0xa9: {  	s8 =	simm.s32 $0x0;
	s9 =	simm.s32 $0x1A180;
	[tilespmem:s5+$0x0] =	vst v8;
	v5 =	vld.idx.msk [tilespmem:v14+s2+$0x0], $0xffff  }
.LBB2_6:
0xaa: {  	v6 =	vld [tilespmem:s9+$0x70];
	s8 =	sadd.s32 $0x100, s8;
	[tilespmem:s5+$0x10] =	vst v0  }
0xab: {  	v0 =	vld [tilespmem:s9+$0xFFFFFF90];
	p0 =	slt.u32 s8, $0x1800;
	[tilespmem:s5+$0x20] =	vst v1  }
0xac: {  	v1 =	vld [tilespmem:s9+$0xFFFFFFA0];
	[tilespmem:s5+$0x30] =	vst v2  }
0xad: {  	v2 =	vld [tilespmem:s9+$0xFFFFFFB0];
	[tilespmem:s5+$0x40] =	vst v3  }
0xae: {  	v3 =	vld [tilespmem:s9+$0xFFFFFFC0];
	[tilespmem:s5+$0x50] =	vst v4  }
0xaf: {  	v4 =	vld [tilespmem:s9+$0xFFFFFFD0];
	[tilespmem:s5+$0x60] =	vst v5  }
0xb0: {  	v5 =	vld [tilespmem:s9+$0xFFFFFFE0]  }
0xb1: {  	v7 =	vld [tilespmem:s9+$0xFFFFFFF0]  }
0xb2: {  	v6 =	vld.idx.msk [tilespmem:v6+s2+$0x0], $0xffff  }
0xb3: {  	v8 =	vld [tilespmem:s9+$0x0]  }
0xb4: {  	v9 =	vld [tilespmem:s9+$0x10]  }
0xb5: {  	v10 =	vld [tilespmem:s9+$0x20]  }
0xb6: {  	v11 =	vld [tilespmem:s9+$0x30]  }
0xb7: {  	s5 =	sadd.s32 $0x100, s5;
	v12 =	vld [tilespmem:s9+$0x40]  }
0xb8: {  	v13 =	vld [tilespmem:s9+$0x50];
	[tilespmem:s5+$0x70] =	vst v6  }
0xb9: {  	v6 =	vld [tilespmem:s9+$0x60]  }
0xba: {  	v14 =	vld [tilespmem:s9+$0xFFFFFF80]  }
0xbb: {  	v0 =	vld.idx.msk [tilespmem:v0+s2+$0x0], $0xffff  }
0xbc: {  	v1 =	vld.idx.msk [tilespmem:v1+s2+$0x0], $0xffff  }
0xbd: {  	v2 =	vld.idx.msk [tilespmem:v2+s2+$0x0], $0xffff  }
0xbe: {  	v3 =	vld.idx.msk [tilespmem:v3+s2+$0x0], $0xffff  }
0xbf: {  	v4 =	vld.idx.msk [tilespmem:v4+s2+$0x0], $0xffff  }
0xc0: {  	v5 =	vld.idx.msk [tilespmem:v5+s2+$0x0], $0xffff  }
0xc1: {  	[tilespmem:s5+$0xFFFFFF90] =	vst v0;
	v7 =	vld.idx.msk [tilespmem:v7+s2+$0x0], $0xffff  }
0xc2: {  	v14 =	vld.idx.msk [tilespmem:v14+s2+$0x0], $0xffff;
	[tilespmem:s5+$0xFFFFFFA0] =	vst v1  }
0xc3: {  	[tilespmem:s5+$0xFFFFFFB0] =	vst v2;
	v8 =	vld.idx.msk [tilespmem:v8+s2+$0x0], $0xffff  }
0xc4: {  	[tilespmem:s5+$0xFFFFFFC0] =	vst v3;
	v0 =	vld.idx.msk [tilespmem:v9+s2+$0x0], $0xffff  }
.Ltmp6:
0xc5: {  	[tilespmem:s5+$0xFFFFFFD0] =	vst v4;
	v1 =	vld.idx.msk [tilespmem:v10+s2+$0x0], $0xffff;
	(pc) =	sbr.rel @p0 .LBB2_6-.Ltmp6, $4  }
0xc6: {  	[tilespmem:s5+$0xFFFFFFE0] =	vst v5;
	v2 =	vld.idx.msk [tilespmem:v11+s2+$0x0], $0xffff  }
0xc7: {  	[tilespmem:s5+$0xFFFFFFF0] =	vst v7;
	v3 =	vld.idx.msk [tilespmem:v12+s2+$0x0], $0xffff  }
0xc8: {  	[tilespmem:s5+$0xFFFFFF80] =	vst v14;
	v4 =	vld.idx.msk [tilespmem:v13+s2+$0x0], $0xffff  }
0xc9: {  	s9 =	sadd.s32 $0x100, s9;
	[tilespmem:s5+$0x0] =	vst v8;
	v5 =	vld.idx.msk [tilespmem:v6+s2+$0x0], $0xffff  }
0xca: {  	[tilespmem:s5+$0x10] =	vst v0  }
0xcb: {  	[tilespmem:s5+$0x20] =	vst v1;
	s0 =	smul.u32 $0x1900, s0  }
0xcc: {  	s1 =	smin.u32 s1, $0x79;
	[tilespmem:s5+$0x30] =	vst v2  }
0xcd: {  	s1 =	smul.u32 $0x1900, s1;
	[tilespmem:s5+$0x40] =	vst v3;
	s0 =	sadd.s32 s0, s11  }
0xce: {  	[tilespmem:s5+$0x50] =	vst v4;
	s0 =	sshrl.u32 s0, $0x3  }
.Ltmp7:
0xcf: {  	s9 =	sadd.s32 s1, s13;
	[tilespmem:s5+$0x60] =	vst v5;
	s0 =	sadd.s32 s6, s0;
	(pc) =	sbr.rel .LBB2_8-.Ltmp7, $4  }
0xd0: {  	[hbm4b:s0+s2] =	stream.linear.scatter [tilespmem:s26], [sflag:$0x4], $0x1900, $0x38;
	[tilespmem:$0x1EB00] =	vst v63  }
0xd1: {  	s0 =	sshrl.u32 s9, $0x3  }
0xd2: {  	s0 =	sadd.s32 s3, s0  }
0xd3: {  	[tilespmem:s22], [sflag:$0x2] =	stream.linear.gather [hbm4b:s0+s2], $0x1900, $0x38;
	[tilespmem:$0x1EB00] =	vst v63  }
.LBB2_9:
0xd4: {  	_ =	swait.ge [sflag:s23], $0x1900  }
0xd5: {  	[sflag:s23] =	ssyncset.done $0x0  }
0xd6: {  	[sflag:s23] =	ssyncadd.s32 $0xFFFFE700  }
0xd7: {  	_ =	swait.ge [sflag:s25], $0x1900  }
0xd8: {  	[sflag:s25] =	ssyncset.done $0x0  }
0xd9: {  	[sflag:s25] =	ssyncadd.s32 $0xFFFFE700  }
0xda: {  	_ =	swait.ge [sflag:s28], $0x1900  }
0xdb: {  	[sflag:s28] =	ssyncset.done $0x0  }
0xdc: {  	[sflag:s28] =	ssyncadd.s32 $0xFFFFE700  }
0xdd: {  	_ =	swait.ge [sflag:s29], $0x1900  }
0xde: {  	[sflag:s29] =	ssyncset.done $0x0  }
0xdf: {  	s31 =	simm.s32 $0x0;
	s0 =	rddreg [dreg:$0x3];
	[sflag:s29] =	ssyncadd.s32 $0xFFFFE700  }
0xe0: {  	[tilespmem:s31], [sflag:$0x5] =	stream.linear.gather [hbm4b:s0+s31], $0x18700, $0x38;
	[tilespmem:$0x1EB00] =	vst v63  }
0xe1: {  	_ =	swait.ge [sflag:s20], $0x18700  }
0xe2: {  	[sflag:s20] =	ssyncset.done $0x0  }
0xe3: {  	[sflag:s20] =	ssyncadd.s32 $0xFFFE7900  }
0xe4: {  	[tilespmem:s21], [sflag:$0x1] =	stream.linear.gather [hbm4b:s14+s31], $0x1900, $0x38;
	[tilespmem:$0x1EB00] =	vst v63  }
0xe5: {  	_ = 	snop  }
0xe6: {  	[tilespmem:s24], [sflag:$0x3] =	stream.linear.gather [hbm4b:s15+s31], $0x1900, $0x38;
	[tilespmem:$0x1EB00] =	vst v63  }
.Ltmp8:
0xe7: {  	_ = 	snop;
	(pc) =	sbr.rel .LBB2_10-.Ltmp8, $4  }
0xe8: {  	_ = 	snop  }
0xe9: {  	[tilespmem:s22], [sflag:$0x2] =	stream.linear.gather [hbm4b:s16+s31], $0x1900, $0x38;
	[tilespmem:$0x1EB00] =	vst v63  }
0xea: {  	_ = 	snop  }
0xeb: {  	[tilespmem:s26], [sflag:$0x4] =	stream.linear.gather [hbm4b:s17+s31], $0x1900, $0x38;
	[tilespmem:$0x1EB00] =	vst v63  }
.LBB2_16:
0xec: {  	s31 =	sadd.s32 $0x1, s31  }
0xed: {  	p0 =	sne.s32 s31, $0x3F  }
.Ltmp9:
0xee: {  	_ = 	snop;
	(pc) =	sbr.rel @!p0 .LBB2_17-.Ltmp9, $1  }
0xef: {  	_ =	sdelay $0x3  }
.LBB2_10:
0xf0: {  	_ =	swait.ge [sflag:s23], $0x1900  }
0xf1: {  	[sflag:s23] =	ssyncset.done $0x0  }
0xf2: {  	[sflag:s23] =	ssyncadd.s32 $0xFFFFE700  }
0xf3: {  	_ =	swait.ge [sflag:s28], $0x1900  }
0xf4: {  	[sflag:s28] =	ssyncset.done $0x0  }
0xf5: {  	s0 =	simm.s32 $0x18780;
	[sflag:s28] =	ssyncadd.s32 $0xFFFFE700  }
0xf6: {  	v0 =	vld [tilespmem:s0+$0x70]  }
0xf7: {  	v1 =	vld [tilespmem:s0+$0xFFFFFF90]  }
0xf8: {  	s1 =	simm.s32 $0x1B980;
	v2 =	vld [tilespmem:s0+$0xFFFFFFA0]  }
0xf9: {  	v3 =	vld [tilespmem:s1+$0x70]  }
0xfa: {  	v4 =	vld [tilespmem:s0+$0xFFFFFFB0]  }
0xfb: {  	v5 =	vld [tilespmem:s0+$0xFFFFFFC0]  }
0xfc: {  	v6 =	vld [tilespmem:s0+$0xFFFFFFD0]  }
0xfd: {  	v7 =	vld [tilespmem:s0+$0xFFFFFFE0]  }
0xfe: {  	v62 =	vld [tilespmem:s0+$0xFFFFFFF0]  }
0xff: {  	v63 =	vld [tilespmem:s0+$0x0]  }
0x100: {  	v8 =	vld [tilespmem:s0+$0x10]  }
0x101: {  	v9 =	vld [tilespmem:s0+$0x20]  }
0x102: {  	v10 =	vld [tilespmem:s0+$0x30]  }
0x103: {  	v11 =	vld [tilespmem:s0+$0x40]  }
0x104: {  	v12 =	vld [tilespmem:s0+$0x50]  }
0x105: {  	v13 =	vld [tilespmem:s0+$0x60]  }
0x106: {  	v14 =	vld [tilespmem:s0+$0xFFFFFF80]  }
0x107: {  	v15 =	vld [tilespmem:s1+$0xFFFFFF80]  }
0x108: {  	v16 =	vld [tilespmem:s1+$0xFFFFFF90]  }
0x109: {  	v17 =	vld [tilespmem:s1+$0xFFFFFFA0]  }
0x10a: {  	v18 =	vld [tilespmem:s1+$0xFFFFFFB0]  }
0x10b: {  	v19 =	vld [tilespmem:s1+$0xFFFFFFC0]  }
0x10c: {  	v20 =	vld [tilespmem:s1+$0xFFFFFFD0]  }
0x10d: {  	v21 =	vld [tilespmem:s1+$0xFFFFFFE0]  }
0x10e: {  	v22 =	vld [tilespmem:s1+$0xFFFFFFF0]  }
0x10f: {  	v23 =	vld [tilespmem:s1+$0x0]  }
0x110: {  	v24 =	vld [tilespmem:s1+$0x10]  }
0x111: {  	v25 =	vld [tilespmem:s1+$0x20]  }
0x112: {  	v26 =	vld [tilespmem:s1+$0x30]  }
0x113: {  	v27 =	vld [tilespmem:s1+$0x40]  }
0x114: {  	v28 =	vld [tilespmem:s1+$0x50]  }
0x115: {  	v29 =	vld [tilespmem:s1+$0x60]  }
0x116: {  	[tilespmem:v0+s2+$0x0] =	vst.idx.add.f32.msk $0xffff, v3  }
0x117: {  	[tilespmem:v14+s2+$0x0] =	vst.idx.add.f32.msk $0xffff, v15  }
0x118: {  	[tilespmem:v1+s2+$0x0] =	vst.idx.add.f32.msk $0xffff, v16  }
0x119: {  	[tilespmem:v2+s2+$0x0] =	vst.idx.add.f32.msk $0xffff, v17  }
0x11a: {  	[tilespmem:v4+s2+$0x0] =	vst.idx.add.f32.msk $0xffff, v18  }
0x11b: {  	[tilespmem:v5+s2+$0x0] =	vst.idx.add.f32.msk $0xffff, v19  }
0x11c: {  	[tilespmem:v6+s2+$0x0] =	vst.idx.add.f32.msk $0xffff, v20  }
0x11d: {  	[tilespmem:v7+s2+$0x0] =	vst.idx.add.f32.msk $0xffff, v21  }
0x11e: {  	[tilespmem:v62+s2+$0x0] =	vst.idx.add.f32.msk $0xffff, v22  }
0x11f: {  	[tilespmem:v63+s2+$0x0] =	vst.idx.add.f32.msk $0xffff, v23  }
0x120: {  	[tilespmem:v8+s2+$0x0] =	vst.idx.add.f32.msk $0xffff, v24  }
0x121: {  	[tilespmem:v9+s2+$0x0] =	vst.idx.add.f32.msk $0xffff, v25  }
0x122: {  	[tilespmem:v10+s2+$0x0] =	vst.idx.add.f32.msk $0xffff, v26  }
0x123: {  	[tilespmem:v11+s2+$0x0] =	vst.idx.add.f32.msk $0xffff, v27  }
0x124: {  	[tilespmem:v12+s2+$0x0] =	vst.idx.add.f32.msk $0xffff, v28  }
0x125: {  	s5 =	simm.s32 $0x18880;
	s0 =	simm.s32 $0x0;
	[tilespmem:v13+s2+$0x0] =	vst.idx.add.f32.msk $0xffff, v29  }
.LBB2_11:
0x126: {  	v0 =	vld [tilespmem:s5+$0x70];
	s0 =	sadd.s32 $0x100, s0  }
0x127: {  	v1 =	vld [tilespmem:s5+$0xFFFFFF90];
	p0 =	slt.u32 s0, $0x1800  }
0x128: {  	s1 =	sadd.s32 $0x100, s1;
	v2 =	vld [tilespmem:s5+$0xFFFFFFA0]  }
0x129: {  	v3 =	vld [tilespmem:s1+$0x70]  }
0x12a: {  	v4 =	vld [tilespmem:s5+$0xFFFFFFB0]  }
0x12b: {  	v5 =	vld [tilespmem:s5+$0xFFFFFFC0]  }
0x12c: {  	v6 =	vld [tilespmem:s5+$0xFFFFFFD0]  }
0x12d: {  	v7 =	vld [tilespmem:s5+$0xFFFFFFE0]  }
0x12e: {  	[tilespmem:v0+s2+$0x0] =	vst.idx.add.f32.msk $0xffff, v3  }
0x12f: {  	v0 =	vld [tilespmem:s5+$0xFFFFFFF0]  }
0x130: {  	v3 =	vld [tilespmem:s5+$0x0]  }
0x131: {  	v8 =	vld [tilespmem:s5+$0x10]  }
0x132: {  	v9 =	vld [tilespmem:s5+$0x20]  }
0x133: {  	v10 =	vld [tilespmem:s5+$0x30]  }
0x134: {  	v11 =	vld [tilespmem:s5+$0x40]  }
0x135: {  	v12 =	vld [tilespmem:s5+$0x50]  }
0x136: {  	v13 =	vld [tilespmem:s5+$0x60]  }
0x137: {  	v14 =	vld [tilespmem:s5+$0xFFFFFF80]  }
0x138: {  	v15 =	vld [tilespmem:s1+$0xFFFFFF80]  }
0x139: {  	v16 =	vld [tilespmem:s1+$0xFFFFFF90]  }
0x13a: {  	v17 =	vld [tilespmem:s1+$0xFFFFFFA0]  }
0x13b: {  	v18 =	vld [tilespmem:s1+$0xFFFFFFB0]  }
0x13c: {  	v19 =	vld [tilespmem:s1+$0xFFFFFFC0]  }
0x13d: {  	v20 =	vld [tilespmem:s1+$0xFFFFFFD0]  }
0x13e: {  	v21 =	vld [tilespmem:s1+$0xFFFFFFE0]  }
0x13f: {  	v22 =	vld [tilespmem:s1+$0xFFFFFFF0]  }
0x140: {  	v23 =	vld [tilespmem:s1+$0x0]  }
0x141: {  	v24 =	vld [tilespmem:s1+$0x10]  }
0x142: {  	v25 =	vld [tilespmem:s1+$0x20]  }
0x143: {  	v26 =	vld [tilespmem:s1+$0x30]  }
0x144: {  	v27 =	vld [tilespmem:s1+$0x40]  }
0x145: {  	v28 =	vld [tilespmem:s1+$0x50]  }
0x146: {  	v29 =	vld [tilespmem:s1+$0x60]  }
0x147: {  	[tilespmem:v14+s2+$0x0] =	vst.idx.add.f32.msk $0xffff, v15  }
0x148: {  	[tilespmem:v1+s2+$0x0] =	vst.idx.add.f32.msk $0xffff, v16  }
0x149: {  	[tilespmem:v2+s2+$0x0] =	vst.idx.add.f32.msk $0xffff, v17  }
0x14a: {  	[tilespmem:v4+s2+$0x0] =	vst.idx.add.f32.msk $0xffff, v18  }
0x14b: {  	[tilespmem:v5+s2+$0x0] =	vst.idx.add.f32.msk $0xffff, v19  }
0x14c: {  	[tilespmem:v6+s2+$0x0] =	vst.idx.add.f32.msk $0xffff, v20  }
0x14d: {  	[tilespmem:v7+s2+$0x0] =	vst.idx.add.f32.msk $0xffff, v21  }
0x14e: {  	[tilespmem:v0+s2+$0x0] =	vst.idx.add.f32.msk $0xffff, v22  }
0x14f: {  	[tilespmem:v3+s2+$0x0] =	vst.idx.add.f32.msk $0xffff, v23  }
0x150: {  	[tilespmem:v8+s2+$0x0] =	vst.idx.add.f32.msk $0xffff, v24  }
.Ltmp10:
0x151: {  	[tilespmem:v9+s2+$0x0] =	vst.idx.add.f32.msk $0xffff, v25;
	(pc) =	sbr.rel @p0 .LBB2_11-.Ltmp10, $4  }
0x152: {  	[tilespmem:v10+s2+$0x0] =	vst.idx.add.f32.msk $0xffff, v26  }
0x153: {  	[tilespmem:v11+s2+$0x0] =	vst.idx.add.f32.msk $0xffff, v27  }
0x154: {  	[tilespmem:v12+s2+$0x0] =	vst.idx.add.f32.msk $0xffff, v28  }
0x155: {  	s5 =	sadd.s32 $0x100, s5;
	[tilespmem:v13+s2+$0x0] =	vst.idx.add.f32.msk $0xffff, v29  }
0x156: {  	s1 =	sshll.u32 s31, $0x1  }
0x157: {  	s0 =	smin.u32 s1, $0x7A  }
0x158: {  	s0 =	smul.u32 $0x1900, s0;
	_ =	sdelay $0x1  }
0x159: {  	p0 =	sgt.u32 s31, $0x3D;
	s0 =	sadd.s32 s0, s12  }
.Ltmp11:
0x15a: {  	s5 =	sshrl.u32 s0, $0x3;
	s0 =	sadd.s32 s7, s0;
	(pc) =	sbr.rel @p0 .LBB2_16-.Ltmp11, $4  }
0x15b: {  	s5 =	sadd.s32 s4, s5;
	s0 =	sshrl.u32 s0, $0x3  }
0x15c: {  	[tilespmem:s21], [sflag:$0x1] =	stream.linear.gather [hbm4b:s5+s2], $0x1900, $0x38;
	[tilespmem:$0x1EB00] =	vst v63  }
0x15d: {  	s0 =	sadd.s32 s6, s0  }
0x15e: {  	[tilespmem:s24], [sflag:$0x3] =	stream.linear.gather [hbm4b:s0+s2], $0x1900, $0x38;
	[tilespmem:$0x1EB00] =	vst v63  }
0x15f: {  	_ =	swait.ge [sflag:s25], $0x1900  }
0x160: {  	[sflag:s25] =	ssyncset.done $0x0  }
0x161: {  	[sflag:s25] =	ssyncadd.s32 $0xFFFFE700  }
0x162: {  	_ =	swait.ge [sflag:s29], $0x1900  }
0x163: {  	[sflag:s29] =	ssyncset.done $0x0  }
0x164: {  	s5 =	simm.s32 $0x1A080;
	[sflag:s29] =	ssyncadd.s32 $0xFFFFE700  }
0x165: {  	v0 =	vld [tilespmem:s5+$0x70]  }
0x166: {  	v1 =	vld [tilespmem:s5+$0xFFFFFF90]  }
0x167: {  	s0 =	simm.s32 $0x1D280;
	v2 =	vld [tilespmem:s5+$0xFFFFFFA0]  }
0x168: {  	v3 =	vld [tilespmem:s0+$0x70]  }
0x169: {  	v4 =	vld [tilespmem:s5+$0xFFFFFFB0]  }
0x16a: {  	v5 =	vld [tilespmem:s5+$0xFFFFFFC0]  }
0x16b: {  	v6 =	vld [tilespmem:s5+$0xFFFFFFD0]  }
0x16c: {  	v7 =	vld [tilespmem:s5+$0xFFFFFFE0]  }
0x16d: {  	v62 =	vld [tilespmem:s5+$0xFFFFFFF0]  }
0x16e: {  	v63 =	vld [tilespmem:s5+$0x0]  }
0x16f: {  	v8 =	vld [tilespmem:s5+$0x10]  }
0x170: {  	v9 =	vld [tilespmem:s5+$0x20]  }
0x171: {  	v10 =	vld [tilespmem:s5+$0x30]  }
0x172: {  	v11 =	vld [tilespmem:s5+$0x40]  }
0x173: {  	v12 =	vld [tilespmem:s5+$0x50]  }
0x174: {  	v13 =	vld [tilespmem:s5+$0x60]  }
0x175: {  	v14 =	vld [tilespmem:s5+$0xFFFFFF80]  }
0x176: {  	v15 =	vld [tilespmem:s0+$0xFFFFFF80]  }
0x177: {  	v16 =	vld [tilespmem:s0+$0xFFFFFF90]  }
0x178: {  	v17 =	vld [tilespmem:s0+$0xFFFFFFA0]  }
0x179: {  	v18 =	vld [tilespmem:s0+$0xFFFFFFB0]  }
0x17a: {  	v19 =	vld [tilespmem:s0+$0xFFFFFFC0]  }
0x17b: {  	v20 =	vld [tilespmem:s0+$0xFFFFFFD0]  }
0x17c: {  	v21 =	vld [tilespmem:s0+$0xFFFFFFE0]  }
0x17d: {  	v22 =	vld [tilespmem:s0+$0xFFFFFFF0]  }
0x17e: {  	v23 =	vld [tilespmem:s0+$0x0]  }
0x17f: {  	v24 =	vld [tilespmem:s0+$0x10]  }
0x180: {  	v25 =	vld [tilespmem:s0+$0x20]  }
0x181: {  	v26 =	vld [tilespmem:s0+$0x30]  }
0x182: {  	v27 =	vld [tilespmem:s0+$0x40]  }
0x183: {  	v28 =	vld [tilespmem:s0+$0x50]  }
0x184: {  	v29 =	vld [tilespmem:s0+$0x60]  }
0x185: {  	[tilespmem:v0+s2+$0x0] =	vst.idx.add.f32.msk $0xffff, v3  }
0x186: {  	[tilespmem:v14+s2+$0x0] =	vst.idx.add.f32.msk $0xffff, v15  }
0x187: {  	[tilespmem:v1+s2+$0x0] =	vst.idx.add.f32.msk $0xffff, v16  }
0x188: {  	[tilespmem:v2+s2+$0x0] =	vst.idx.add.f32.msk $0xffff, v17  }
0x189: {  	[tilespmem:v4+s2+$0x0] =	vst.idx.add.f32.msk $0xffff, v18  }
0x18a: {  	[tilespmem:v5+s2+$0x0] =	vst.idx.add.f32.msk $0xffff, v19  }
0x18b: {  	[tilespmem:v6+s2+$0x0] =	vst.idx.add.f32.msk $0xffff, v20  }
0x18c: {  	[tilespmem:v7+s2+$0x0] =	vst.idx.add.f32.msk $0xffff, v21  }
0x18d: {  	[tilespmem:v62+s2+$0x0] =	vst.idx.add.f32.msk $0xffff, v22  }
0x18e: {  	[tilespmem:v63+s2+$0x0] =	vst.idx.add.f32.msk $0xffff, v23  }
0x18f: {  	[tilespmem:v8+s2+$0x0] =	vst.idx.add.f32.msk $0xffff, v24  }
0x190: {  	[tilespmem:v9+s2+$0x0] =	vst.idx.add.f32.msk $0xffff, v25  }
0x191: {  	[tilespmem:v10+s2+$0x0] =	vst.idx.add.f32.msk $0xffff, v26  }
0x192: {  	[tilespmem:v11+s2+$0x0] =	vst.idx.add.f32.msk $0xffff, v27  }
0x193: {  	[tilespmem:v12+s2+$0x0] =	vst.idx.add.f32.msk $0xffff, v28  }
0x194: {  	s8 =	simm.s32 $0x1A180;
	s5 =	simm.s32 $0x0;
	[tilespmem:v13+s2+$0x0] =	vst.idx.add.f32.msk $0xffff, v29  }
.LBB2_14:
0x195: {  	v0 =	vld [tilespmem:s8+$0x70];
	s5 =	sadd.s32 $0x100, s5  }
0x196: {  	v1 =	vld [tilespmem:s8+$0xFFFFFF90];
	p0 =	slt.u32 s5, $0x1800  }
0x197: {  	s0 =	sadd.s32 $0x100, s0;
	v2 =	vld [tilespmem:s8+$0xFFFFFFA0]  }
0x198: {  	v3 =	vld [tilespmem:s0+$0x70]  }
0x199: {  	v4 =	vld [tilespmem:s8+$0xFFFFFFB0]  }
0x19a: {  	v5 =	vld [tilespmem:s8+$0xFFFFFFC0]  }
0x19b: {  	v6 =	vld [tilespmem:s8+$0xFFFFFFD0]  }
0x19c: {  	v7 =	vld [tilespmem:s8+$0xFFFFFFE0]  }
0x19d: {  	[tilespmem:v0+s2+$0x0] =	vst.idx.add.f32.msk $0xffff, v3  }
0x19e: {  	v0 =	vld [tilespmem:s8+$0xFFFFFFF0]  }
0x19f: {  	v3 =	vld [tilespmem:s8+$0x0]  }
0x1a0: {  	v8 =	vld [tilespmem:s8+$0x10]  }
0x1a1: {  	v9 =	vld [tilespmem:s8+$0x20]  }
0x1a2: {  	v10 =	vld [tilespmem:s8+$0x30]  }
0x1a3: {  	v11 =	vld [tilespmem:s8+$0x40]  }
0x1a4: {  	v12 =	vld [tilespmem:s8+$0x50]  }
0x1a5: {  	v13 =	vld [tilespmem:s8+$0x60]  }
0x1a6: {  	v14 =	vld [tilespmem:s8+$0xFFFFFF80]  }
0x1a7: {  	v15 =	vld [tilespmem:s0+$0xFFFFFF80]  }
0x1a8: {  	v16 =	vld [tilespmem:s0+$0xFFFFFF90]  }
0x1a9: {  	v17 =	vld [tilespmem:s0+$0xFFFFFFA0]  }
0x1aa: {  	v18 =	vld [tilespmem:s0+$0xFFFFFFB0]  }
0x1ab: {  	v19 =	vld [tilespmem:s0+$0xFFFFFFC0]  }
0x1ac: {  	v20 =	vld [tilespmem:s0+$0xFFFFFFD0]  }
0x1ad: {  	v21 =	vld [tilespmem:s0+$0xFFFFFFE0]  }
0x1ae: {  	v22 =	vld [tilespmem:s0+$0xFFFFFFF0]  }
0x1af: {  	v23 =	vld [tilespmem:s0+$0x0]  }
0x1b0: {  	v24 =	vld [tilespmem:s0+$0x10]  }
0x1b1: {  	v25 =	vld [tilespmem:s0+$0x20]  }
0x1b2: {  	v26 =	vld [tilespmem:s0+$0x30]  }
0x1b3: {  	v27 =	vld [tilespmem:s0+$0x40]  }
0x1b4: {  	v28 =	vld [tilespmem:s0+$0x50]  }
0x1b5: {  	v29 =	vld [tilespmem:s0+$0x60]  }
0x1b6: {  	[tilespmem:v14+s2+$0x0] =	vst.idx.add.f32.msk $0xffff, v15  }
0x1b7: {  	[tilespmem:v1+s2+$0x0] =	vst.idx.add.f32.msk $0xffff, v16  }
0x1b8: {  	[tilespmem:v2+s2+$0x0] =	vst.idx.add.f32.msk $0xffff, v17  }
0x1b9: {  	[tilespmem:v4+s2+$0x0] =	vst.idx.add.f32.msk $0xffff, v18  }
0x1ba: {  	[tilespmem:v5+s2+$0x0] =	vst.idx.add.f32.msk $0xffff, v19  }
0x1bb: {  	[tilespmem:v6+s2+$0x0] =	vst.idx.add.f32.msk $0xffff, v20  }
0x1bc: {  	[tilespmem:v7+s2+$0x0] =	vst.idx.add.f32.msk $0xffff, v21  }
0x1bd: {  	[tilespmem:v0+s2+$0x0] =	vst.idx.add.f32.msk $0xffff, v22  }
0x1be: {  	[tilespmem:v3+s2+$0x0] =	vst.idx.add.f32.msk $0xffff, v23  }
0x1bf: {  	[tilespmem:v8+s2+$0x0] =	vst.idx.add.f32.msk $0xffff, v24  }
.Ltmp12:
0x1c0: {  	[tilespmem:v9+s2+$0x0] =	vst.idx.add.f32.msk $0xffff, v25;
	(pc) =	sbr.rel @p0 .LBB2_14-.Ltmp12, $4  }
0x1c1: {  	[tilespmem:v10+s2+$0x0] =	vst.idx.add.f32.msk $0xffff, v26  }
0x1c2: {  	[tilespmem:v11+s2+$0x0] =	vst.idx.add.f32.msk $0xffff, v27  }
0x1c3: {  	[tilespmem:v12+s2+$0x0] =	vst.idx.add.f32.msk $0xffff, v28  }
0x1c4: {  	s8 =	sadd.s32 $0x100, s8;
	[tilespmem:v13+s2+$0x0] =	vst.idx.add.f32.msk $0xffff, v29  }
0x1c5: {  	s0 =	smin.u32 s1, $0x79  }
0x1c6: {  	s0 =	smul.u32 $0x1900, s0;
	_ =	sdelay $0x1  }
0x1c7: {  	s0 =	sadd.s32 s0, s13  }
.Ltmp13:
0x1c8: {  	s9 =	sshrl.u32 s0, $0x3;
	s0 =	sadd.s32 s7, s0;
	(pc) =	sbr.rel .LBB2_16-.Ltmp13, $4  }
0x1c9: {  	s1 =	sadd.s32 s4, s9;
	s0 =	sshrl.u32 s0, $0x3  }
0x1ca: {  	[tilespmem:s22], [sflag:$0x2] =	stream.linear.gather [hbm4b:s1+s2], $0x1900, $0x38;
	[tilespmem:$0x1EB00] =	vst v63  }
0x1cb: {  	s0 =	sadd.s32 s6, s0  }
0x1cc: {  	[tilespmem:s26], [sflag:$0x4] =	stream.linear.gather [hbm4b:s0+s2], $0x1900, $0x38;
	[tilespmem:$0x1EB00] =	vst v63  }
.LBB2_18:
0x1cd: {  	_ =	sfence.sel $0x180000  }
0x1ce: {  	[bflag:$0x0] =	sbarrier.arrive $0xFFFF  }
0x1cf: {  	_ =	strace $0x9000004A  }
0x1d0: {  	s0 =	stileid.u32;
	[bflag:$0x2] =	sbarrier.arrive $0xFFFF  }
0x1d1: {  	p0 =	sne.s32 s0, $0x0;
	s0 =	rddreg [dreg:$0x2]  }
0x1d2: {  	s0 =	sadd.s32 @!p0 $0x100000, s0  }
0x1d3: {  	[sflag:s0] =	ssyncadd.tile.s32 @!p0 $0x1;
	_ =	shalt  }
.Lfunc_end2:
_tile_overlayer_lowered:
.L_overlay_start_2:
0x1d4: {  	(tag) =	ssettag $0x2  }
0x1d5: {  	s0 =	rddreg [dreg:$0x0];
	s2 =	stileid.u32  }
0x1d6: {  	s1 =	rddreg [dreg:$0x1];
	p0 =	sne.s32 s2, $0x0  }
0x1d7: {  	s3 =	rddreg [dreg:$0x2];
	[bflag:$0x3] =	sbarrier.arrive $0xFFFF;
	s2 =	simm.s32 @!p0 $0x1C05  }
0x1d8: {  	[timem:s3], [sflag:s2] =	dma.local @!p0 [hbm:s0], s1  }
0x1d9: {  	s0 =	simm.s32 @!p0 $0x5  }
0x1da: {  	_ =	swait.ge @!p0 [sflag:s0], s1  }
0x1db: {  	s1 =	ssub.s32 @!p0 $0x0, s1;
	[sflag:s0] =	ssyncset.done @!p0 $0x0  }
0x1dc: {  	[sflag:s0] =	ssyncadd.s32 @!p0 s1  }
0x1dd: {  	[bflag:$0x3] =	sbarrier.arrive $0xFFFF  }
0x1de: {  	_ =	shalt  }

</sc_bundles>
